<compile_context>
chip_gen: v7x
topology: tpu7x:2x2x1
jax: 0.10.2.dev20260603
libtpu: 0.0.44.dev20260713+nightly
codegen_flags: <defaults>
</compile_context>

<pallas_src>
import functools

import jax
import jax.numpy as jnp
from jax import lax
from jax.experimental import pallas as pl
from jax.experimental.pallas import tpu as pltpu
from jax.experimental.pallas import tpu_sc as plsc

TEMPERATURE = 0.3
TOP_P = 0.95
MASK_ID = 151666
N_REVEAL_STATIC = 16

B, G, V = 8, 128, 100000
NROWS = B * G
NB = 4096
UHI = 48.0
SCALE1 = NB / 96.0
NW = 32
ROWS_PER_W = NROWS // NW


def _sc_body(lg_hbm, rb_hbm, wb_hbm, he_hbm, hue_hbm, hc_hbm, cc_hbm,
             row_v, h1e, h1ue, h2e, h2ue, h2c,
             rb_v, wb_v, he_v, hue_v, hc_v, cc_v):
    nc = 2
    wid = lax.axis_index("s") * nc + lax.axis_index("c")
    base = wid * ROWS_PER_W
    inv_t = jnp.float32(1.0 / TEMPERATURE)
    iota = lax.iota(jnp.int32, 16)
    zeros16 = jnp.zeros((16,), jnp.float32)
    ones16 = jnp.ones((16,), jnp.float32)

    def per_row(j, _):
        pltpu.sync_copy(lg_hbm.at[base + j], row_v)

        @plsc.parallel_loop(0, NB, 16, unroll=8)
        def _zero(i):
            h1e[pl.ds(i, 16)] = zeros16
            h1ue[pl.ds(i, 16)] = zeros16
            h2e[pl.ds(i, 16)] = zeros16
            h2ue[pl.ds(i, 16)] = zeros16
            h2c[pl.ds(i, 16)] = zeros16

        def sweep_b(i, z_acc):
            v = row_v[pl.ds(i, 16)]
            u = v * inv_t
            e = jnp.exp(u)
            t = (jnp.float32(UHI) - u) * jnp.float32(SCALE1)
            b1 = jnp.minimum(jnp.maximum(t.astype(jnp.int32), 0), NB - 1)
            plsc.addupdate_scatter(h1e, [b1], e)
            plsc.addupdate_scatter(h1ue, [b1], u * e)
            return z_acc + e
        z_vec = plsc.parallel_loop(0, V, 16, unroll=4, carry=zeros16)(sweep_b)
        z_tot = jnp.sum(z_vec)
        c = jnp.float32(TOP_P) * z_tot

        def scan_l(he, hue, cval):
            def scan_body(i, carry):
                s, cnt, te, tue = carry
                h = he[pl.ds(i, 16)]
                hu = hue[pl.ds(i, 16)]
                cs = plsc.cumsum(h)
                pre = (s + cs) - h
                cond = pre <= cval
                cnt = cnt + jnp.where(cond, ones16, zeros16)
                te = te + jnp.where(cond, h, zeros16)
                tue = tue + jnp.where(cond, hu, zeros16)
                return (s + jnp.sum(h), cnt, te, tue)
            s, cnt, te, tue = plsc.parallel_loop(
                0, NB, 16, unroll=2,
                carry=(jnp.float32(0.0), zeros16, zeros16, zeros16))(scan_body)
            return s, jnp.sum(cnt), jnp.sum(te), jnp.sum(tue)

        def pick(ref, idx):
            c0 = (idx // 16) * 16
            v = ref[pl.ds(c0, 16)]
            return jnp.sum(jnp.where(iota == idx - c0, v, zeros16))

        _, cnt1, t_e, t_ue = scan_l(h1e, h1ue, c)
        bhat = cnt1.astype(jnp.int32) - 1
        hb = pick(h1e, bhat)
        hub = pick(h1ue, bhat)
        r_b = t_e - hb
        w_b = t_ue - hub
        c2 = c - r_b
        bhat_f = bhat.astype(jnp.float32)

        @plsc.parallel_loop(0, V, 16, unroll=4)
        def _sweep_c(i):
            v = row_v[pl.ds(i, 16)]
            u = v * inv_t
            e = jnp.exp(u)
            t = (jnp.float32(UHI) - u) * jnp.float32(SCALE1)
            b1 = jnp.minimum(jnp.maximum(t.astype(jnp.int32), 0), NB - 1)
            msk = b1 == bhat
            t2 = (t - bhat_f) * jnp.float32(NB)
            b2 = jnp.minimum(jnp.maximum(t2.astype(jnp.int32), 0), NB - 1)
            plsc.addupdate_scatter(h2e, [b2], e, mask=msk)
            plsc.addupdate_scatter(h2ue, [b2], u * e, mask=msk)
            plsc.addupdate_scatter(h2c, [b2], ones16, mask=msk)

        _, cnt2, t2e, t2ue = scan_l(h2e, h2ue, c2)
        shat = cnt2.astype(jnp.int32) - 1
        he_s = pick(h2e, shat)
        hue_s = pick(h2ue, shat)
        hc_s = pick(h2c, shat)
        r_bef = r_b + (t2e - he_s)
        w_bef = w_b + (t2ue - hue_s)
        c0 = (j // 16) * 16
        lane = iota == j - c0
        sl = pl.ds(c0, 16)
        rb_v[sl] = jnp.where(lane, r_bef, rb_v[sl])
        wb_v[sl] = jnp.where(lane, w_bef, wb_v[sl])
        he_v[sl] = jnp.where(lane, he_s, he_v[sl])
        hue_v[sl] = jnp.where(lane, hue_s, hue_v[sl])
        hc_v[sl] = jnp.where(lane, hc_s, hc_v[sl])
        cc_v[sl] = jnp.where(lane, c, cc_v[sl])
        return 0

    lax.fori_loop(0, ROWS_PER_W, per_row, 0)
    pltpu.sync_copy(rb_v, rb_hbm.at[pl.ds(base, ROWS_PER_W)])
    pltpu.sync_copy(wb_v, wb_hbm.at[pl.ds(base, ROWS_PER_W)])
    pltpu.sync_copy(he_v, he_hbm.at[pl.ds(base, ROWS_PER_W)])
    pltpu.sync_copy(hue_v, hue_hbm.at[pl.ds(base, ROWS_PER_W)])
    pltpu.sync_copy(hc_v, hc_hbm.at[pl.ds(base, ROWS_PER_W)])
    pltpu.sync_copy(cc_v, cc_hbm.at[pl.ds(base, ROWS_PER_W)])


_sc_call = functools.partial(
    pl.kernel,
    out_type=(jax.ShapeDtypeStruct((NROWS,), jnp.float32),) * 6,
    mesh=plsc.VectorSubcoreMesh(core_axis_name="c", subcore_axis_name="s"),
    compiler_params=pltpu.CompilerParams(needs_layout_passes=False),
    scratch_types=[
        pltpu.VMEM((V,), jnp.float32),
        pltpu.VMEM((NB,), jnp.float32),
        pltpu.VMEM((NB,), jnp.float32),
        pltpu.VMEM((NB,), jnp.float32),
        pltpu.VMEM((NB,), jnp.float32),
        pltpu.VMEM((NB,), jnp.float32),
        pltpu.VMEM((ROWS_PER_W,), jnp.float32),
        pltpu.VMEM((ROWS_PER_W,), jnp.float32),
        pltpu.VMEM((ROWS_PER_W,), jnp.float32),
        pltpu.VMEM((ROWS_PER_W,), jnp.float32),
        pltpu.VMEM((ROWS_PER_W,), jnp.float32),
        pltpu.VMEM((ROWS_PER_W,), jnp.float32),
    ],
)(_sc_body)

AM_RB = 8


def _am_body(x_ref, am_ref):
    x = x_ref[...]
    iota2 = lax.broadcasted_iota(jnp.int32, (AM_RB, V), 1)
    m = jnp.max(x, axis=1, keepdims=True)
    first = jnp.min(jnp.where(x == m, iota2, jnp.int32(2**31 - 1)),
                    axis=1)
    am_ref[...] = first.reshape(1, 1, AM_RB)


_am_call = pl.pallas_call(
    _am_body,
    grid=(NROWS // AM_RB,),
    in_specs=[pl.BlockSpec((AM_RB, V), lambda i: (i, 0))],
    out_specs=pl.BlockSpec((1, 1, AM_RB), lambda i: (i, 0, 0)),
    out_shape=jax.ShapeDtypeStruct((NROWS // AM_RB, 1, AM_RB), jnp.int32),
)


def _tc_body(nrev_ref, rb_ref, wb_ref, he_ref, hue_ref, hc_ref, cc_ref,
             am_ref, x_ref, conf_ref):
    r_bef = rb_ref[...]
    w_bef = wb_ref[...]
    he_s = he_ref[...]
    hue_s = hue_ref[...]
    hc_s = hc_ref[...]
    c = cc_ref[...]
    ebar = he_s / hc_s
    ubar = hue_s / hc_s
    ratio = jnp.minimum((c - r_bef) / ebar, hc_s)
    kst = jnp.minimum(hc_s, jnp.floor(ratio) + 1.0)
    zk = r_bef + kst * ebar
    w1k = w_bef + kst * ubar
    conf = (w1k / zk) - jnp.log(zk)
    conf_ref[...] = conf
    am = am_ref[...]
    nrev = nrev_ref[0]
    col = lax.broadcasted_iota(jnp.int32, (B, G), 1)
    x0 = jnp.full((B, G), MASK_ID, jnp.int32)
    neg = jnp.float32(jnp.finfo(jnp.float32).min)

    def step(t, carry):
        x, work = carry
        m = jnp.max(work, axis=1, keepdims=True)
        idx = jnp.min(jnp.where(work == m, col, jnp.int32(2**31 - 1)),
                      axis=1, keepdims=True)
        sel = col == idx
        val = jnp.where(t < nrev, am, MASK_ID)
        x = jnp.where(sel, val, x)
        work = jnp.where(sel, neg, work)
        return (x, work)

    x, _ = lax.fori_loop(0, N_REVEAL_STATIC, step, (x0, conf))
    x_ref[...] = x


def kernel(gen_logits, n_reveal):
    lg = gen_logits.reshape(NROWS, V)
    rb, wb, he, hue, hc, cc = _sc_call(lg)
    am2 = _am_call(lg).reshape(B, G)
    nrev = jnp.asarray(n_reveal, jnp.int32).reshape(1)
    x, conf = pl.pallas_call(
        _tc_body,
        out_shape=(
            jax.ShapeDtypeStruct((B, G), jnp.int32),
            jax.ShapeDtypeStruct((B, G), jnp.float32),
        ),
        in_specs=[pl.BlockSpec(memory_space=pltpu.SMEM)]
        + [pl.BlockSpec(memory_space=pltpu.VMEM)] * 7,
        out_specs=(
            pl.BlockSpec(memory_space=pltpu.VMEM),
            pl.BlockSpec(memory_space=pltpu.VMEM),
        ),
    )(nrev, rb.reshape(B, G), wb.reshape(B, G), he.reshape(B, G),
      hue.reshape(B, G), hc.reshape(B, G), cc.reshape(B, G), am2)
    return x, conf

# --- scband reference (transcript-rebuilt; emitter-appended) ---
"""Pipeline reference for scband-vision-dream-56367150792705 (READ-ONLY COPY).

The authoritative reference and input builder live on the scoring server;
editing this copy changes nothing except your own understanding.
"""

import jax, jax.numpy as jnp
import numpy as np

TEMPERATURE = 0.3
TOP_P = 0.95
MASK_ID = 151666

N_REVEAL_STATIC = 16


def setup_inputs(seed: int = 0) -> dict:
    key = jax.random.key(seed)
    gen_logits = jax.random.normal(key, (8, 128, 100000), dtype=jnp.float32) * 2.0
    return {"gen_logits": gen_logits, "n_reveal": 16}


def reference(gen_logits, n_reveal):
    # Core top-p masking + entropy-confidence + top-k reveal kernel from
    # VisionDream._generate / _sample (alg='entropy', deterministic argmax path).
    B, G, V = gen_logits.shape
    logits = gen_logits.reshape(B * G, V) / TEMPERATURE
    # top-p (nucleus) filtering: sort descending, cumulative softmax, shift-remove
    order = jnp.argsort(-logits, axis=-1)
    sorted_l = jnp.take_along_axis(logits, order, axis=-1)
    cum = jnp.cumsum(jax.nn.softmax(sorted_l, axis=-1), axis=-1)
    remove = cum > TOP_P
    remove = jnp.concatenate([jnp.zeros((B * G, 1), dtype=bool), remove[:, :-1]], axis=-1)
    rows = jnp.arange(B * G)[:, None]
    mask = jnp.zeros((B * G, V), dtype=bool).at[rows, order].set(remove)
    logits = jnp.where(mask, jnp.finfo(jnp.float32).min, logits)
    probs = jax.nn.softmax(logits, axis=-1)
    # deterministic token pick (stands in for multinomial) and entropy confidence
    x0 = jnp.argmax(probs, axis=-1).astype(jnp.int32)
    conf = jnp.sum(probs * jnp.log(probs + 1e-10), axis=-1)
    full_conf = conf.reshape(B, G)
    x0_full = x0.reshape(B, G)
    # reveal the n_reveal most confident positions per batch row
    _, reveal_idx = jax.lax.top_k(full_conf, N_REVEAL_STATIC)
    brows = jnp.arange(B)[:, None]
    keep = jnp.arange(N_REVEAL_STATIC)[None, :] < n_reveal
    x = jnp.full((B, G), MASK_ID, dtype=jnp.int32)
    reveal_vals = jnp.where(keep, x0_full[brows, reveal_idx], MASK_ID)
    x = x.at[brows, reveal_idx].set(reveal_vals)
    return x, full_conf

if __name__ == "__main__":
    import jax
    _d = setup_inputs()
    print(jax.jit(kernel)(*tuple(_d.values())))

</pallas_src>

<mosaic_0001>
#map = affine_map<(d0, d1) -> (0, 0)>
#map1 = affine_map<(d0, d1) -> (0)>
module attributes {stable_mosaic.version = 14 : i64} {
  func.func @_sc_body(%arg0: i32, %arg1: i32, %arg2: memref<1024x100000xf32, #tpu.memory_space<hbm>>, %arg3: memref<1024xf32, #tpu.memory_space<hbm>>, %arg4: memref<1024xf32, #tpu.memory_space<hbm>>, %arg5: memref<1024xf32, #tpu.memory_space<hbm>>, %arg6: memref<1024xf32, #tpu.memory_space<hbm>>, %arg7: memref<1024xf32, #tpu.memory_space<hbm>>, %arg8: memref<1024xf32, #tpu.memory_space<hbm>>, %arg9: memref<100000xf32, #tpu.memory_space<vmem>>, %arg10: memref<4096xf32, #tpu.memory_space<vmem>>, %arg11: memref<4096xf32, #tpu.memory_space<vmem>>, %arg12: memref<4096xf32, #tpu.memory_space<vmem>>, %arg13: memref<4096xf32, #tpu.memory_space<vmem>>, %arg14: memref<4096xf32, #tpu.memory_space<vmem>>, %arg15: memref<32xf32, #tpu.memory_space<vmem>>, %arg16: memref<32xf32, #tpu.memory_space<vmem>>, %arg17: memref<32xf32, #tpu.memory_space<vmem>>, %arg18: memref<32xf32, #tpu.memory_space<vmem>>, %arg19: memref<32xf32, #tpu.memory_space<vmem>>, %arg20: memref<32xf32, #tpu.memory_space<vmem>>) attributes {dimension_semantics = [#tpu.dimension_semantics<core_parallel>, #tpu.dimension_semantics<subcore_parallel>], iteration_bounds = array<i64: 2, 16>, scalar_prefetch = 0 : i64, scratch_operands = 12 : i64, tpu.core_type = #tpu.core_type<sc_vector_subcore>, window_params = [{transform_indices = #map}, {transform_indices = #map1}, {transform_indices = #map1}, {transform_indices = #map1}, {transform_indices = #map1}, {transform_indices = #map1}, {transform_indices = #map1}]} {
    %mul3A = arith.constant 2 : i32
    %mul3A_0 = arith.muli %arg1, %mul3A : i32
    %add3A = arith.addi %mul3A_0, %arg0 : i32
    %mul3A_1 = arith.constant 32 : i32
    %mul3A_2 = arith.muli %add3A, %mul3A_1 : i32
    %iota3A = tpu.iota {dimensions = array<i32: 0>} : vector<16xi32>
    %broadcast_in_dim3A = arith.constant 0.000000e+00 : f32
    %broadcast_in_dim3A_3 = vector.broadcast %broadcast_in_dim3A : f32 to vector<16xf32>
    %broadcast_in_dim3A_4 = arith.constant 1.000000e+00 : f32
    %broadcast_in_dim3A_5 = vector.broadcast %broadcast_in_dim3A_4 : f32 to vector<16xf32>
    %scan3A = arith.constant 3.33333325 : f32
    %scan3A_6 = arith.constant 0 : i32
    %scan3A_7 = arith.constant 0 : i32
    %scan3A_8 = arith.constant 32 : i32
    %scan3A_9 = arith.addi %scan3A_7, %scan3A_8 : i32
    %scan3A_10 = arith.constant 1 : i32
    %scan3A_11 = scf.for %scan3A_13 = %scan3A_7 to %scan3A_9 step %scan3A_10 iter_args(%scan3A_14 = %scan3A_6) -> (i32)  : i32 {
      %add3A_15 = arith.addi %mul3A_2, %scan3A_13 : i32
      "tpu.region"() ({
        %run_scoped3A = tpu.sem_alloc : memref<!tpu.dma_semaphore, #tpu.memory_space<semaphore_mem>>
        %dma_start3A = arith.constant 0 : i32
        %dma_start3A_312 = tpu.memref_slice %arg2[%add3A_15, %dma_start3A] : memref<1024x100000xf32, #tpu.memory_space<hbm>> -> memref<1x100000xf32, #tpu.memory_space<hbm>>
        %dma_start3A_313 = tpu.memref_squeeze %dma_start3A_312 : memref<1x100000xf32, #tpu.memory_space<hbm>> -> memref<100000xf32, #tpu.memory_space<hbm>>
        %dma_start3A_314 = arith.constant 0 : i32
        %dma_start3A_315 = tpu.memref_slice %arg2[%add3A_15, %dma_start3A_314] : memref<1024x100000xf32, #tpu.memory_space<hbm>> -> memref<1x100000xf32, #tpu.memory_space<hbm>>
        %dma_start3A_316 = tpu.memref_squeeze %dma_start3A_315 : memref<1x100000xf32, #tpu.memory_space<hbm>> -> memref<100000xf32, #tpu.memory_space<hbm>>
        tpu.enqueue_dma source(%dma_start3A_316 : memref<100000xf32, #tpu.memory_space<hbm>>) target(%arg9 : memref<100000xf32, #tpu.memory_space<vmem>>) target_semaphore(%run_scoped3A : memref<!tpu.dma_semaphore, #tpu.memory_space<semaphore_mem>>)
        %dma_wait3A = arith.constant 0 : i32
        %dma_wait3A_317 = tpu.memref_slice %arg2[%add3A_15, %dma_wait3A] : memref<1024x100000xf32, #tpu.memory_space<hbm>> -> memref<1x100000xf32, #tpu.memory_space<hbm>>
        %dma_wait3A_318 = tpu.memref_squeeze %dma_wait3A_317 : memref<1x100000xf32, #tpu.memory_space<hbm>> -> memref<100000xf32, #tpu.memory_space<hbm>>
        %dma_wait3A_319 = arith.constant 0 : i32
        %dma_wait3A_320 = tpu.memref_slice %arg2[%add3A_15, %dma_wait3A_319] : memref<1024x100000xf32, #tpu.memory_space<hbm>> -> memref<1x100000xf32, #tpu.memory_space<hbm>>
        %dma_wait3A_321 = tpu.memref_squeeze %dma_wait3A_320 : memref<1x100000xf32, #tpu.memory_space<hbm>> -> memref<100000xf32, #tpu.memory_space<hbm>>
        tpu.wait_dma2 semaphore(%run_scoped3A : memref<!tpu.dma_semaphore, #tpu.memory_space<semaphore_mem>>) src(%dma_wait3A_321 : memref<100000xf32, #tpu.memory_space<hbm>>) dst(%arg9 : memref<100000xf32, #tpu.memory_space<vmem>>)
        tpu.yield
      }) : () -> ()
      %parallel_loop3A = arith.constant 0 : i32
      %parallel_loop3A_16 = arith.constant 4096 : i32
      %parallel_loop3A_17 = arith.constant 16 : i32
      scf.for %parallel_loop3A_312 = %parallel_loop3A to %parallel_loop3A_16 step %parallel_loop3A_17  : i32 {
        %parallel_loop3A_313 = arith.index_cast %parallel_loop3A_312 : i32 to index
        %parallel_loop3A_314 = tpu.vector_load %arg10[%parallel_loop3A_313] {strides = array<i32>} : memref<4096xf32, #tpu.memory_space<vmem>>, vector<16xf32>,
        tpu.vector_store %arg10[%parallel_loop3A_313], %broadcast_in_dim3A_3 {strides = array<i32>} : memref<4096xf32, #tpu.memory_space<vmem>>, vector<16xf32>,
        %parallel_loop3A_315 = arith.index_cast %parallel_loop3A_312 : i32 to index
        %parallel_loop3A_316 = tpu.vector_load %arg11[%parallel_loop3A_315] {strides = array<i32>} : memref<4096xf32, #tpu.memory_space<vmem>>, vector<16xf32>,
        tpu.vector_store %arg11[%parallel_loop3A_315], %broadcast_in_dim3A_3 {strides = array<i32>} : memref<4096xf32, #tpu.memory_space<vmem>>, vector<16xf32>,
        %parallel_loop3A_317 = arith.index_cast %parallel_loop3A_312 : i32 to index
        %parallel_loop3A_318 = tpu.vector_load %arg12[%parallel_loop3A_317] {strides = array<i32>} : memref<4096xf32, #tpu.memory_space<vmem>>, vector<16xf32>,
        tpu.vector_store %arg12[%parallel_loop3A_317], %broadcast_in_dim3A_3 {strides = array<i32>} : memref<4096xf32, #tpu.memory_space<vmem>>, vector<16xf32>,
        %parallel_loop3A_319 = arith.index_cast %parallel_loop3A_312 : i32 to index
        %parallel_loop3A_320 = tpu.vector_load %arg13[%parallel_loop3A_319] {strides = array<i32>} : memref<4096xf32, #tpu.memory_space<vmem>>, vector<16xf32>,
        tpu.vector_store %arg13[%parallel_loop3A_319], %broadcast_in_dim3A_3 {strides = array<i32>} : memref<4096xf32, #tpu.memory_space<vmem>>, vector<16xf32>,
        %parallel_loop3A_321 = arith.index_cast %parallel_loop3A_312 : i32 to index
        %parallel_loop3A_322 = tpu.vector_load %arg14[%parallel_loop3A_321] {strides = array<i32>} : memref<4096xf32, #tpu.memory_space<vmem>>, vector<16xf32>,
        tpu.vector_store %arg14[%parallel_loop3A_321], %broadcast_in_dim3A_3 {strides = array<i32>} : memref<4096xf32, #tpu.memory_space<vmem>>, vector<16xf32>,
      } {sc.loop_unroll_factor = 8 : i64, sc.parallel_access}
      %parallel_loop3A_18 = arith.constant 0 : i32
      %parallel_loop3A_19 = arith.constant 100000 : i32
      %parallel_loop3A_20 = arith.constant 16 : i32
      %parallel_loop3A_21 = scf.for %parallel_loop3A_312 = %parallel_loop3A_18 to %parallel_loop3A_19 step %parallel_loop3A_20 iter_args(%parallel_loop3A_313 = %broadcast_in_dim3A_3) -> (vector<16xf32>)  : i32 {
        %parallel_loop3A_314 = arith.index_cast %parallel_loop3A_312 : i32 to index
        %parallel_loop3A_315 = tpu.vector_load %arg9[%parallel_loop3A_314] {strides = array<i32>} : memref<100000xf32, #tpu.memory_space<vmem>>, vector<16xf32>,
        %parallel_loop3A_316 = vector.broadcast %scan3A : f32 to vector<16xf32>
        %parallel_loop3A_317 = arith.mulf %parallel_loop3A_315, %parallel_loop3A_316 : vector<16xf32>
        %parallel_loop3A_318 = math.exp %parallel_loop3A_317 : vector<16xf32>
        %parallel_loop3A_319 = arith.constant 4.800000e+01 : f32
        %parallel_loop3A_320 = vector.broadcast %parallel_loop3A_319 : f32 to vector<16xf32>
        %parallel_loop3A_321 = arith.subf %parallel_loop3A_320, %parallel_loop3A_317 : vector<16xf32>
        %parallel_loop3A_322 = arith.constant 42.6666679 : f32
        %parallel_loop3A_323 = vector.broadcast %parallel_loop3A_322 : f32 to vector<16xf32>
        %parallel_loop3A_324 = arith.mulf %parallel_loop3A_321, %parallel_loop3A_323 : vector<16xf32>
        %parallel_loop3A_325 = arith.fptosi %parallel_loop3A_324 : vector<16xf32> to vector<16xi32>
        %parallel_loop3A_326 = arith.constant 0 : i32
        %parallel_loop3A_327 = vector.broadcast %parallel_loop3A_326 : i32 to vector<16xi32>
        %parallel_loop3A_328 = arith.maxsi %parallel_loop3A_325, %parallel_loop3A_327 : vector<16xi32>
        %parallel_loop3A_329 = arith.constant 4095 : i32
        %parallel_loop3A_330 = vector.broadcast %parallel_loop3A_329 : i32 to vector<16xi32>
        %parallel_loop3A_331 = arith.minsi %parallel_loop3A_328, %parallel_loop3A_330 : vector<16xi32>
        tpu.vector_store_idx %arg10[%parallel_loop3A_331], %parallel_loop3A_318 {add = true} : memref<4096xf32, #tpu.memory_space<vmem>>[vector<16xi32>], vector<16xf32>,
        %parallel_loop3A_332 = arith.mulf %parallel_loop3A_317, %parallel_loop3A_318 : vector<16xf32>
        tpu.vector_store_idx %arg11[%parallel_loop3A_331], %parallel_loop3A_332 {add = true} : memref<4096xf32, #tpu.memory_space<vmem>>[vector<16xi32>], vector<16xf32>,
        %parallel_loop3A_333 = arith.addf %parallel_loop3A_313, %parallel_loop3A_318 : vector<16xf32>
        scf.yield %parallel_loop3A_333 : vector<16xf32>
      } {sc.loop_unroll_factor = 4 : i64, sc.parallel_access}
      %reduce_sum3A = arith.constant true
      %reduce_sum3A_22 = vector.broadcast %reduce_sum3A : i1 to vector<16xi1>
      %reduce_sum3A_23 = tpu.scan <sum>, %parallel_loop3A_21 masked %reduce_sum3A_22 : vector<16xf32>, vector<16xi1> -> vector<16xf32>
      %reduce_sum3A_24 = vector.extract %reduce_sum3A_23[15] : f32 from vector<16xf32>
      %mul3A_25 = arith.constant 0.949999988 : f32
      %mul3A_26 = arith.mulf %mul3A_25, %reduce_sum3A_24 : f32
      %parallel_loop3A_27 = arith.constant 0 : i32
      %parallel_loop3A_28 = arith.constant 4096 : i32
      %parallel_loop3A_29 = arith.constant 16 : i32
      %parallel_loop3A_30 = arith.constant 0.000000e+00 : f32
      %parallel_loop3A_31:4 = scf.for %parallel_loop3A_312 = %parallel_loop3A_27 to %parallel_loop3A_28 step %parallel_loop3A_29 iter_args(%parallel_loop3A_313 = %parallel_loop3A_30, %parallel_loop3A_314 = %broadcast_in_dim3A_3, %parallel_loop3A_315 = %broadcast_in_dim3A_3, %parallel_loop3A_316 = %broadcast_in_dim3A_3) -> (f32, vector<16xf32>, vector<16xf32>, vector<16xf32>)  : i32 {
        %parallel_loop3A_317 = arith.index_cast %parallel_loop3A_312 : i32 to index
        %parallel_loop3A_318 = tpu.vector_load %arg10[%parallel_loop3A_317] {strides = array<i32>} : memref<4096xf32, #tpu.memory_space<vmem>>, vector<16xf32>,
        %parallel_loop3A_319 = arith.index_cast %parallel_loop3A_312 : i32 to index
        %parallel_loop3A_320 = tpu.vector_load %arg11[%parallel_loop3A_319] {strides = array<i32>} : memref<4096xf32, #tpu.memory_space<vmem>>, vector<16xf32>,
        %parallel_loop3A_321 = arith.constant true
        %parallel_loop3A_322 = vector.broadcast %parallel_loop3A_321 : i1 to vector<16xi1>
        %parallel_loop3A_323 = tpu.scan <sum>, %parallel_loop3A_318 masked %parallel_loop3A_322 : vector<16xf32>, vector<16xi1> -> vector<16xf32>
        %parallel_loop3A_324 = vector.broadcast %parallel_loop3A_313 : f32 to vector<16xf32>
        %parallel_loop3A_325 = arith.addf %parallel_loop3A_324, %parallel_loop3A_323 : vector<16xf32>
        %parallel_loop3A_326 = arith.subf %parallel_loop3A_325, %parallel_loop3A_318 : vector<16xf32>
        %parallel_loop3A_327 = vector.broadcast %mul3A_26 : f32 to vector<16xf32>
        %parallel_loop3A_328 = arith.cmpf ole, %parallel_loop3A_326, %parallel_loop3A_327 : vector<16xf32>
        %parallel_loop3A_329 = arith.select %parallel_loop3A_328, %broadcast_in_dim3A_5, %broadcast_in_dim3A_3 : vector<16xi1>, vector<16xf32>
        %parallel_loop3A_330 = arith.addf %parallel_loop3A_314, %parallel_loop3A_329 : vector<16xf32>
        %parallel_loop3A_331 = arith.select %parallel_loop3A_328, %parallel_loop3A_318, %broadcast_in_dim3A_3 : vector<16xi1>, vector<16xf32>
        %parallel_loop3A_332 = arith.addf %parallel_loop3A_315, %parallel_loop3A_331 : vector<16xf32>
        %parallel_loop3A_333 = arith.select %parallel_loop3A_328, %parallel_loop3A_320, %broadcast_in_dim3A_3 : vector<16xi1>, vector<16xf32>
        %parallel_loop3A_334 = arith.addf %parallel_loop3A_316, %parallel_loop3A_333 : vector<16xf32>
        %parallel_loop3A_335 = arith.constant true
        %parallel_loop3A_336 = vector.broadcast %parallel_loop3A_335 : i1 to vector<16xi1>
        %parallel_loop3A_337 = tpu.scan <sum>, %parallel_loop3A_318 masked %parallel_loop3A_336 : vector<16xf32>, vector<16xi1> -> vector<16xf32>
        %parallel_loop3A_338 = vector.extract %parallel_loop3A_337[15] : f32 from vector<16xf32>
        %parallel_loop3A_339 = arith.addf %parallel_loop3A_313, %parallel_loop3A_338 : f32
        scf.yield %parallel_loop3A_339, %parallel_loop3A_330, %parallel_loop3A_332, %parallel_loop3A_334 : f32, vector<16xf32>, vector<16xf32>, vector<16xf32>
      } {sc.loop_unroll_factor = 2 : i64, sc.parallel_access}
      %reduce_sum3A_32 = arith.constant true
      %reduce_sum3A_33 = vector.broadcast %reduce_sum3A_32 : i1 to vector<16xi1>
      %reduce_sum3A_34 = tpu.scan <sum>, %parallel_loop3A_31#1 masked %reduce_sum3A_33 : vector<16xf32>, vector<16xi1> -> vector<16xf32>
      %reduce_sum3A_35 = vector.extract %reduce_sum3A_34[15] : f32 from vector<16xf32>
      %reduce_sum3A_36 = arith.constant true
      %reduce_sum3A_37 = vector.broadcast %reduce_sum3A_36 : i1 to vector<16xi1>
      %reduce_sum3A_38 = tpu.scan <sum>, %parallel_loop3A_31#2 masked %reduce_sum3A_37 : vector<16xf32>, vector<16xi1> -> vector<16xf32>
      %reduce_sum3A_39 = vector.extract %reduce_sum3A_38[15] : f32 from vector<16xf32>
      %reduce_sum3A_40 = arith.constant true
      %reduce_sum3A_41 = vector.broadcast %reduce_sum3A_40 : i1 to vector<16xi1>
      %reduce_sum3A_42 = tpu.scan <sum>, %parallel_loop3A_31#3 masked %reduce_sum3A_41 : vector<16xf32>, vector<16xi1> -> vector<16xf32>
      %reduce_sum3A_43 = vector.extract %reduce_sum3A_42[15] : f32 from vector<16xf32>
      %convert_element_type3A = arith.fptosi %reduce_sum3A_35 : f32 to i32
      %sub3A = arith.constant 1 : i32
      %sub3A_44 = arith.subi %convert_element_type3A, %sub3A : i32
      %jit3A = arith.constant 16 : i32
      %div3A = arith.divsi %sub3A_44, %jit3A : i32
      %sign3A = arith.constant 0 : i32
      %sign3A_45 = arith.cmpi sgt, %sub3A_44, %sign3A : i32
      %sign3A_46 = arith.extui %sign3A_45 : i1 to i32
      %sign3A_47 = arith.constant 0 : i32
      %sign3A_48 = arith.cmpi slt, %sub3A_44, %sign3A_47 : i32
      %sign3A_49 = arith.extui %sign3A_48 : i1 to i32
      %sign3A_50 = arith.subi %sign3A_46, %sign3A_49 : i32
      %sign3A_51 = arith.constant 0 : i32
      %sign3A_52 = arith.cmpi sgt, %jit3A, %sign3A_51 : i32
      %sign3A_53 = arith.extui %sign3A_52 : i1 to i32
      %sign3A_54 = arith.constant 0 : i32
      %sign3A_55 = arith.cmpi slt, %jit3A, %sign3A_54 : i32
      %sign3A_56 = arith.extui %sign3A_55 : i1 to i32
      %sign3A_57 = arith.subi %sign3A_53, %sign3A_56 : i32
      %ne3A = arith.cmpi ne, %sign3A_50, %sign3A_57 : i32
      %rem3A = arith.remsi %sub3A_44, %jit3A : i32
      %ne3A_58 = arith.constant 0 : i32
      %ne3A_59 = arith.cmpi ne, %rem3A, %ne3A_58 : i32
      %and3A = arith.andi %ne3A, %ne3A_59 : i1
      %sub3A_60 = arith.constant 1 : i32
      %sub3A_61 = arith.subi %div3A, %sub3A_60 : i32
      %select_n3A = arith.select %and3A, %sub3A_61, %div3A : i32
      %mul3A_62 = arith.constant 16 : i32
      %mul3A_63 = arith.muli %select_n3A, %mul3A_62 : i32
      %get3A = arith.index_cast %mul3A_63 : i32 to index
      %get3A_64 = tpu.vector_load %arg10[%get3A] {strides = array<i32>} : memref<4096xf32, #tpu.memory_space<vmem>>, vector<16xf32>,
      %sub3A_65 = arith.subi %sub3A_44, %mul3A_63 : i32
      %eq3A = vector.broadcast %sub3A_65 : i32 to vector<16xi32>
      %eq3A_66 = arith.cmpi eq, %iota3A, %eq3A : vector<16xi32>
      %select_n3A_67 = arith.select %eq3A_66, %get3A_64, %broadcast_in_dim3A_3 : vector<16xi1>, vector<16xf32>
      %reduce_sum3A_68 = arith.constant true
      %reduce_sum3A_69 = vector.broadcast %reduce_sum3A_68 : i1 to vector<16xi1>
      %reduce_sum3A_70 = tpu.scan <sum>, %select_n3A_67 masked %reduce_sum3A_69 : vector<16xf32>, vector<16xi1> -> vector<16xf32>
      %reduce_sum3A_71 = vector.extract %reduce_sum3A_70[15] : f32 from vector<16xf32>
      %jit3A_72 = arith.constant 16 : i32
      %div3A_73 = arith.divsi %sub3A_44, %jit3A_72 : i32
      %sign3A_74 = arith.constant 0 : i32
      %sign3A_75 = arith.cmpi sgt, %sub3A_44, %sign3A_74 : i32
      %sign3A_76 = arith.extui %sign3A_75 : i1 to i32
      %sign3A_77 = arith.constant 0 : i32
      %sign3A_78 = arith.cmpi slt, %sub3A_44, %sign3A_77 : i32
      %sign3A_79 = arith.extui %sign3A_78 : i1 to i32
      %sign3A_80 = arith.subi %sign3A_76, %sign3A_79 : i32
      %sign3A_81 = arith.constant 0 : i32
      %sign3A_82 = arith.cmpi sgt, %jit3A_72, %sign3A_81 : i32
      %sign3A_83 = arith.extui %sign3A_82 : i1 to i32
      %sign3A_84 = arith.constant 0 : i32
      %sign3A_85 = arith.cmpi slt, %jit3A_72, %sign3A_84 : i32
      %sign3A_86 = arith.extui %sign3A_85 : i1 to i32
      %sign3A_87 = arith.subi %sign3A_83, %sign3A_86 : i32
      %ne3A_88 = arith.cmpi ne, %sign3A_80, %sign3A_87 : i32
      %rem3A_89 = arith.remsi %sub3A_44, %jit3A_72 : i32
      %ne3A_90 = arith.constant 0 : i32
      %ne3A_91 = arith.cmpi ne, %rem3A_89, %ne3A_90 : i32
      %and3A_92 = arith.andi %ne3A_88, %ne3A_91 : i1
      %sub3A_93 = arith.constant 1 : i32
      %sub3A_94 = arith.subi %div3A_73, %sub3A_93 : i32
      %select_n3A_95 = arith.select %and3A_92, %sub3A_94, %div3A_73 : i32
      %mul3A_96 = arith.constant 16 : i32
      %mul3A_97 = arith.muli %select_n3A_95, %mul3A_96 : i32
      %get3A_98 = arith.index_cast %mul3A_97 : i32 to index
      %get3A_99 = tpu.vector_load %arg11[%get3A_98] {strides = array<i32>} : memref<4096xf32, #tpu.memory_space<vmem>>, vector<16xf32>,
      %sub3A_100 = arith.subi %sub3A_44, %mul3A_97 : i32
      %eq3A_101 = vector.broadcast %sub3A_100 : i32 to vector<16xi32>
      %eq3A_102 = arith.cmpi eq, %iota3A, %eq3A_101 : vector<16xi32>
      %select_n3A_103 = arith.select %eq3A_102, %get3A_99, %broadcast_in_dim3A_3 : vector<16xi1>, vector<16xf32>
      %reduce_sum3A_104 = arith.constant true
      %reduce_sum3A_105 = vector.broadcast %reduce_sum3A_104 : i1 to vector<16xi1>
      %reduce_sum3A_106 = tpu.scan <sum>, %select_n3A_103 masked %reduce_sum3A_105 : vector<16xf32>, vector<16xi1> -> vector<16xf32>
      %reduce_sum3A_107 = vector.extract %reduce_sum3A_106[15] : f32 from vector<16xf32>
      %sub3A_108 = arith.subf %reduce_sum3A_39, %reduce_sum3A_71 : f32
      %sub3A_109 = arith.subf %reduce_sum3A_43, %reduce_sum3A_107 : f32
      %sub3A_110 = arith.subf %mul3A_26, %sub3A_108 : f32
      %convert_element_type3A_111 = arith.sitofp %sub3A_44 : i32 to f32
      %parallel_loop3A_112 = arith.constant 0 : i32
      %parallel_loop3A_113 = arith.constant 100000 : i32
      %parallel_loop3A_114 = arith.constant 16 : i32
      scf.for %parallel_loop3A_312 = %parallel_loop3A_112 to %parallel_loop3A_113 step %parallel_loop3A_114  : i32 {
        %parallel_loop3A_313 = arith.index_cast %parallel_loop3A_312 : i32 to index
        %parallel_loop3A_314 = tpu.vector_load %arg9[%parallel_loop3A_313] {strides = array<i32>} : memref<100000xf32, #tpu.memory_space<vmem>>, vector<16xf32>,
        %parallel_loop3A_315 = vector.broadcast %scan3A : f32 to vector<16xf32>
        %parallel_loop3A_316 = arith.mulf %parallel_loop3A_314, %parallel_loop3A_315 : vector<16xf32>
        %parallel_loop3A_317 = math.exp %parallel_loop3A_316 : vector<16xf32>
        %parallel_loop3A_318 = arith.constant 4.800000e+01 : f32
        %parallel_loop3A_319 = vector.broadcast %parallel_loop3A_318 : f32 to vector<16xf32>
        %parallel_loop3A_320 = arith.subf %parallel_loop3A_319, %parallel_loop3A_316 : vector<16xf32>
        %parallel_loop3A_321 = arith.constant 42.6666679 : f32
        %parallel_loop3A_322 = vector.broadcast %parallel_loop3A_321 : f32 to vector<16xf32>
        %parallel_loop3A_323 = arith.mulf %parallel_loop3A_320, %parallel_loop3A_322 : vector<16xf32>
        %parallel_loop3A_324 = arith.fptosi %parallel_loop3A_323 : vector<16xf32> to vector<16xi32>
        %parallel_loop3A_325 = arith.constant 0 : i32
        %parallel_loop3A_326 = vector.broadcast %parallel_loop3A_325 : i32 to vector<16xi32>
        %parallel_loop3A_327 = arith.maxsi %parallel_loop3A_324, %parallel_loop3A_326 : vector<16xi32>
        %parallel_loop3A_328 = arith.constant 4095 : i32
        %parallel_loop3A_329 = vector.broadcast %parallel_loop3A_328 : i32 to vector<16xi32>
        %parallel_loop3A_330 = arith.minsi %parallel_loop3A_327, %parallel_loop3A_329 : vector<16xi32>
        %parallel_loop3A_331 = vector.broadcast %sub3A_44 : i32 to vector<16xi32>
        %parallel_loop3A_332 = arith.cmpi eq, %parallel_loop3A_330, %parallel_loop3A_331 : vector<16xi32>
        %parallel_loop3A_333 = vector.broadcast %convert_element_type3A_111 : f32 to vector<16xf32>
        %parallel_loop3A_334 = arith.subf %parallel_loop3A_323, %parallel_loop3A_333 : vector<16xf32>
        %parallel_loop3A_335 = arith.constant 4.096000e+03 : f32
        %parallel_loop3A_336 = vector.broadcast %parallel_loop3A_335 : f32 to vector<16xf32>
        %parallel_loop3A_337 = arith.mulf %parallel_loop3A_334, %parallel_loop3A_336 : vector<16xf32>
        %parallel_loop3A_338 = arith.fptosi %parallel_loop3A_337 : vector<16xf32> to vector<16xi32>
        %parallel_loop3A_339 = arith.constant 0 : i32
        %parallel_loop3A_340 = vector.broadcast %parallel_loop3A_339 : i32 to vector<16xi32>
        %parallel_loop3A_341 = arith.maxsi %parallel_loop3A_338, %parallel_loop3A_340 : vector<16xi32>
        %parallel_loop3A_342 = arith.constant 4095 : i32
        %parallel_loop3A_343 = vector.broadcast %parallel_loop3A_342 : i32 to vector<16xi32>
        %parallel_loop3A_344 = arith.minsi %parallel_loop3A_341, %parallel_loop3A_343 : vector<16xi32>
        tpu.vector_store_idx %arg12[%parallel_loop3A_344], %parallel_loop3A_317 masked %parallel_loop3A_332 {add = true} : memref<4096xf32, #tpu.memory_space<vmem>>[vector<16xi32>], vector<16xf32>, vector<16xi1>
        %parallel_loop3A_345 = arith.mulf %parallel_loop3A_316, %parallel_loop3A_317 : vector<16xf32>
        tpu.vector_store_idx %arg13[%parallel_loop3A_344], %parallel_loop3A_345 masked %parallel_loop3A_332 {add = true} : memref<4096xf32, #tpu.memory_space<vmem>>[vector<16xi32>], vector<16xf32>, vector<16xi1>
        tpu.vector_store_idx %arg14[%parallel_loop3A_344], %broadcast_in_dim3A_5 masked %parallel_loop3A_332 {add = true} : memref<4096xf32, #tpu.memory_space<vmem>>[vector<16xi32>], vector<16xf32>, vector<16xi1>
      } {sc.loop_unroll_factor = 4 : i64, sc.parallel_access}
      %parallel_loop3A_115 = arith.constant 0 : i32
      %parallel_loop3A_116 = arith.constant 4096 : i32
      %parallel_loop3A_117 = arith.constant 16 : i32
      %parallel_loop3A_118 = arith.constant 0.000000e+00 : f32
      %parallel_loop3A_119:4 = scf.for %parallel_loop3A_312 = %parallel_loop3A_115 to %parallel_loop3A_116 step %parallel_loop3A_117 iter_args(%parallel_loop3A_313 = %parallel_loop3A_118, %parallel_loop3A_314 = %broadcast_in_dim3A_3, %parallel_loop3A_315 = %broadcast_in_dim3A_3, %parallel_loop3A_316 = %broadcast_in_dim3A_3) -> (f32, vector<16xf32>, vector<16xf32>, vector<16xf32>)  : i32 {
        %parallel_loop3A_317 = arith.index_cast %parallel_loop3A_312 : i32 to index
        %parallel_loop3A_318 = tpu.vector_load %arg12[%parallel_loop3A_317] {strides = array<i32>} : memref<4096xf32, #tpu.memory_space<vmem>>, vector<16xf32>,
        %parallel_loop3A_319 = arith.index_cast %parallel_loop3A_312 : i32 to index
        %parallel_loop3A_320 = tpu.vector_load %arg13[%parallel_loop3A_319] {strides = array<i32>} : memref<4096xf32, #tpu.memory_space<vmem>>, vector<16xf32>,
        %parallel_loop3A_321 = arith.constant true
        %parallel_loop3A_322 = vector.broadcast %parallel_loop3A_321 : i1 to vector<16xi1>
        %parallel_loop3A_323 = tpu.scan <sum>, %parallel_loop3A_318 masked %parallel_loop3A_322 : vector<16xf32>, vector<16xi1> -> vector<16xf32>
        %parallel_loop3A_324 = vector.broadcast %parallel_loop3A_313 : f32 to vector<16xf32>
        %parallel_loop3A_325 = arith.addf %parallel_loop3A_324, %parallel_loop3A_323 : vector<16xf32>
        %parallel_loop3A_326 = arith.subf %parallel_loop3A_325, %parallel_loop3A_318 : vector<16xf32>
        %parallel_loop3A_327 = vector.broadcast %sub3A_110 : f32 to vector<16xf32>
        %parallel_loop3A_328 = arith.cmpf ole, %parallel_loop3A_326, %parallel_loop3A_327 : vector<16xf32>
        %parallel_loop3A_329 = arith.select %parallel_loop3A_328, %broadcast_in_dim3A_5, %broadcast_in_dim3A_3 : vector<16xi1>, vector<16xf32>
        %parallel_loop3A_330 = arith.addf %parallel_loop3A_314, %parallel_loop3A_329 : vector<16xf32>
        %parallel_loop3A_331 = arith.select %parallel_loop3A_328, %parallel_loop3A_318, %broadcast_in_dim3A_3 : vector<16xi1>, vector<16xf32>
        %parallel_loop3A_332 = arith.addf %parallel_loop3A_315, %parallel_loop3A_331 : vector<16xf32>
        %parallel_loop3A_333 = arith.select %parallel_loop3A_328, %parallel_loop3A_320, %broadcast_in_dim3A_3 : vector<16xi1>, vector<16xf32>
        %parallel_loop3A_334 = arith.addf %parallel_loop3A_316, %parallel_loop3A_333 : vector<16xf32>
        %parallel_loop3A_335 = arith.constant true
        %parallel_loop3A_336 = vector.broadcast %parallel_loop3A_335 : i1 to vector<16xi1>
        %parallel_loop3A_337 = tpu.scan <sum>, %parallel_loop3A_318 masked %parallel_loop3A_336 : vector<16xf32>, vector<16xi1> -> vector<16xf32>
        %parallel_loop3A_338 = vector.extract %parallel_loop3A_337[15] : f32 from vector<16xf32>
        %parallel_loop3A_339 = arith.addf %parallel_loop3A_313, %parallel_loop3A_338 : f32
        scf.yield %parallel_loop3A_339, %parallel_loop3A_330, %parallel_loop3A_332, %parallel_loop3A_334 : f32, vector<16xf32>, vector<16xf32>, vector<16xf32>
      } {sc.loop_unroll_factor = 2 : i64, sc.parallel_access}
      %reduce_sum3A_120 = arith.constant true
      %reduce_sum3A_121 = vector.broadcast %reduce_sum3A_120 : i1 to vector<16xi1>
      %reduce_sum3A_122 = tpu.scan <sum>, %parallel_loop3A_119#1 masked %reduce_sum3A_121 : vector<16xf32>, vector<16xi1> -> vector<16xf32>
      %reduce_sum3A_123 = vector.extract %reduce_sum3A_122[15] : f32 from vector<16xf32>
      %reduce_sum3A_124 = arith.constant true
      %reduce_sum3A_125 = vector.broadcast %reduce_sum3A_124 : i1 to vector<16xi1>
      %reduce_sum3A_126 = tpu.scan <sum>, %parallel_loop3A_119#2 masked %reduce_sum3A_125 : vector<16xf32>, vector<16xi1> -> vector<16xf32>
      %reduce_sum3A_127 = vector.extract %reduce_sum3A_126[15] : f32 from vector<16xf32>
      %reduce_sum3A_128 = arith.constant true
      %reduce_sum3A_129 = vector.broadcast %reduce_sum3A_128 : i1 to vector<16xi1>
      %reduce_sum3A_130 = tpu.scan <sum>, %parallel_loop3A_119#3 masked %reduce_sum3A_129 : vector<16xf32>, vector<16xi1> -> vector<16xf32>
      %reduce_sum3A_131 = vector.extract %reduce_sum3A_130[15] : f32 from vector<16xf32>
      %convert_element_type3A_132 = arith.fptosi %reduce_sum3A_123 : f32 to i32
      %sub3A_133 = arith.constant 1 : i32
      %sub3A_134 = arith.subi %convert_element_type3A_132, %sub3A_133 : i32
      %jit3A_135 = arith.constant 16 : i32
      %div3A_136 = arith.divsi %sub3A_134, %jit3A_135 : i32
      %sign3A_137 = arith.constant 0 : i32
      %sign3A_138 = arith.cmpi sgt, %sub3A_134, %sign3A_137 : i32
      %sign3A_139 = arith.extui %sign3A_138 : i1 to i32
      %sign3A_140 = arith.constant 0 : i32
      %sign3A_141 = arith.cmpi slt, %sub3A_134, %sign3A_140 : i32
      %sign3A_142 = arith.extui %sign3A_141 : i1 to i32
      %sign3A_143 = arith.subi %sign3A_139, %sign3A_142 : i32
      %sign3A_144 = arith.constant 0 : i32
      %sign3A_145 = arith.cmpi sgt, %jit3A_135, %sign3A_144 : i32
      %sign3A_146 = arith.extui %sign3A_145 : i1 to i32
      %sign3A_147 = arith.constant 0 : i32
      %sign3A_148 = arith.cmpi slt, %jit3A_135, %sign3A_147 : i32
      %sign3A_149 = arith.extui %sign3A_148 : i1 to i32
      %sign3A_150 = arith.subi %sign3A_146, %sign3A_149 : i32
      %ne3A_151 = arith.cmpi ne, %sign3A_143, %sign3A_150 : i32
      %rem3A_152 = arith.remsi %sub3A_134, %jit3A_135 : i32
      %ne3A_153 = arith.constant 0 : i32
      %ne3A_154 = arith.cmpi ne, %rem3A_152, %ne3A_153 : i32
      %and3A_155 = arith.andi %ne3A_151, %ne3A_154 : i1
      %sub3A_156 = arith.constant 1 : i32
      %sub3A_157 = arith.subi %div3A_136, %sub3A_156 : i32
      %select_n3A_158 = arith.select %and3A_155, %sub3A_157, %div3A_136 : i32
      %mul3A_159 = arith.constant 16 : i32
      %mul3A_160 = arith.muli %select_n3A_158, %mul3A_159 : i32
      %get3A_161 = arith.index_cast %mul3A_160 : i32 to index
      %get3A_162 = tpu.vector_load %arg12[%get3A_161] {strides = array<i32>} : memref<4096xf32, #tpu.memory_space<vmem>>, vector<16xf32>,
      %sub3A_163 = arith.subi %sub3A_134, %mul3A_160 : i32
      %eq3A_164 = vector.broadcast %sub3A_163 : i32 to vector<16xi32>
      %eq3A_165 = arith.cmpi eq, %iota3A, %eq3A_164 : vector<16xi32>
      %select_n3A_166 = arith.select %eq3A_165, %get3A_162, %broadcast_in_dim3A_3 : vector<16xi1>, vector<16xf32>
      %reduce_sum3A_167 = arith.constant true
      %reduce_sum3A_168 = vector.broadcast %reduce_sum3A_167 : i1 to vector<16xi1>
      %reduce_sum3A_169 = tpu.scan <sum>, %select_n3A_166 masked %reduce_sum3A_168 : vector<16xf32>, vector<16xi1> -> vector<16xf32>
      %reduce_sum3A_170 = vector.extract %reduce_sum3A_169[15] : f32 from vector<16xf32>
      %jit3A_171 = arith.constant 16 : i32
      %div3A_172 = arith.divsi %sub3A_134, %jit3A_171 : i32
      %sign3A_173 = arith.constant 0 : i32
      %sign3A_174 = arith.cmpi sgt, %sub3A_134, %sign3A_173 : i32
      %sign3A_175 = arith.extui %sign3A_174 : i1 to i32
      %sign3A_176 = arith.constant 0 : i32
      %sign3A_177 = arith.cmpi slt, %sub3A_134, %sign3A_176 : i32
      %sign3A_178 = arith.extui %sign3A_177 : i1 to i32
      %sign3A_179 = arith.subi %sign3A_175, %sign3A_178 : i32
      %sign3A_180 = arith.constant 0 : i32
      %sign3A_181 = arith.cmpi sgt, %jit3A_171, %sign3A_180 : i32
      %sign3A_182 = arith.extui %sign3A_181 : i1 to i32
      %sign3A_183 = arith.constant 0 : i32
      %sign3A_184 = arith.cmpi slt, %jit3A_171, %sign3A_183 : i32
      %sign3A_185 = arith.extui %sign3A_184 : i1 to i32
      %sign3A_186 = arith.subi %sign3A_182, %sign3A_185 : i32
      %ne3A_187 = arith.cmpi ne, %sign3A_179, %sign3A_186 : i32
      %rem3A_188 = arith.remsi %sub3A_134, %jit3A_171 : i32
      %ne3A_189 = arith.constant 0 : i32
      %ne3A_190 = arith.cmpi ne, %rem3A_188, %ne3A_189 : i32
      %and3A_191 = arith.andi %ne3A_187, %ne3A_190 : i1
      %sub3A_192 = arith.constant 1 : i32
      %sub3A_193 = arith.subi %div3A_172, %sub3A_192 : i32
      %select_n3A_194 = arith.select %and3A_191, %sub3A_193, %div3A_172 : i32
      %mul3A_195 = arith.constant 16 : i32
      %mul3A_196 = arith.muli %select_n3A_194, %mul3A_195 : i32
      %get3A_197 = arith.index_cast %mul3A_196 : i32 to index
      %get3A_198 = tpu.vector_load %arg13[%get3A_197] {strides = array<i32>} : memref<4096xf32, #tpu.memory_space<vmem>>, vector<16xf32>,
      %sub3A_199 = arith.subi %sub3A_134, %mul3A_196 : i32
      %eq3A_200 = vector.broadcast %sub3A_199 : i32 to vector<16xi32>
      %eq3A_201 = arith.cmpi eq, %iota3A, %eq3A_200 : vector<16xi32>
      %select_n3A_202 = arith.select %eq3A_201, %get3A_198, %broadcast_in_dim3A_3 : vector<16xi1>, vector<16xf32>
      %reduce_sum3A_203 = arith.constant true
      %reduce_sum3A_204 = vector.broadcast %reduce_sum3A_203 : i1 to vector<16xi1>
      %reduce_sum3A_205 = tpu.scan <sum>, %select_n3A_202 masked %reduce_sum3A_204 : vector<16xf32>, vector<16xi1> -> vector<16xf32>
      %reduce_sum3A_206 = vector.extract %reduce_sum3A_205[15] : f32 from vector<16xf32>
      %jit3A_207 = arith.constant 16 : i32
      %div3A_208 = arith.divsi %sub3A_134, %jit3A_207 : i32
      %sign3A_209 = arith.constant 0 : i32
      %sign3A_210 = arith.cmpi sgt, %sub3A_134, %sign3A_209 : i32
      %sign3A_211 = arith.extui %sign3A_210 : i1 to i32
      %sign3A_212 = arith.constant 0 : i32
      %sign3A_213 = arith.cmpi slt, %sub3A_134, %sign3A_212 : i32
      %sign3A_214 = arith.extui %sign3A_213 : i1 to i32
      %sign3A_215 = arith.subi %sign3A_211, %sign3A_214 : i32
      %sign3A_216 = arith.constant 0 : i32
      %sign3A_217 = arith.cmpi sgt, %jit3A_207, %sign3A_216 : i32
      %sign3A_218 = arith.extui %sign3A_217 : i1 to i32
      %sign3A_219 = arith.constant 0 : i32
      %sign3A_220 = arith.cmpi slt, %jit3A_207, %sign3A_219 : i32
      %sign3A_221 = arith.extui %sign3A_220 : i1 to i32
      %sign3A_222 = arith.subi %sign3A_218, %sign3A_221 : i32
      %ne3A_223 = arith.cmpi ne, %sign3A_215, %sign3A_222 : i32
      %rem3A_224 = arith.remsi %sub3A_134, %jit3A_207 : i32
      %ne3A_225 = arith.constant 0 : i32
      %ne3A_226 = arith.cmpi ne, %rem3A_224, %ne3A_225 : i32
      %and3A_227 = arith.andi %ne3A_223, %ne3A_226 : i1
      %sub3A_228 = arith.constant 1 : i32
      %sub3A_229 = arith.subi %div3A_208, %sub3A_228 : i32
      %select_n3A_230 = arith.select %and3A_227, %sub3A_229, %div3A_208 : i32
      %mul3A_231 = arith.constant 16 : i32
      %mul3A_232 = arith.muli %select_n3A_230, %mul3A_231 : i32
      %get3A_233 = arith.index_cast %mul3A_232 : i32 to index
      %get3A_234 = tpu.vector_load %arg14[%get3A_233] {strides = array<i32>} : memref<4096xf32, #tpu.memory_space<vmem>>, vector<16xf32>,
      %sub3A_235 = arith.subi %sub3A_134, %mul3A_232 : i32
      %eq3A_236 = vector.broadcast %sub3A_235 : i32 to vector<16xi32>
      %eq3A_237 = arith.cmpi eq, %iota3A, %eq3A_236 : vector<16xi32>
      %select_n3A_238 = arith.select %eq3A_237, %get3A_234, %broadcast_in_dim3A_3 : vector<16xi1>, vector<16xf32>
      %reduce_sum3A_239 = arith.constant true
      %reduce_sum3A_240 = vector.broadcast %reduce_sum3A_239 : i1 to vector<16xi1>
      %reduce_sum3A_241 = tpu.scan <sum>, %select_n3A_238 masked %reduce_sum3A_240 : vector<16xf32>, vector<16xi1> -> vector<16xf32>
      %reduce_sum3A_242 = vector.extract %reduce_sum3A_241[15] : f32 from vector<16xf32>
      %sub3A_243 = arith.subf %reduce_sum3A_127, %reduce_sum3A_170 : f32
      %add3A_244 = arith.addf %sub3A_108, %sub3A_243 : f32
      %sub3A_245 = arith.subf %reduce_sum3A_131, %reduce_sum3A_206 : f32
      %add3A_246 = arith.addf %sub3A_109, %sub3A_245 : f32
      %jit3A_247 = arith.constant 16 : i32
      %div3A_248 = arith.divsi %scan3A_13, %jit3A_247 : i32
      %sign3A_249 = arith.constant 0 : i32
      %sign3A_250 = arith.cmpi sgt, %scan3A_13, %sign3A_249 : i32
      %sign3A_251 = arith.extui %sign3A_250 : i1 to i32
      %sign3A_252 = arith.constant 0 : i32
      %sign3A_253 = arith.cmpi slt, %scan3A_13, %sign3A_252 : i32
      %sign3A_254 = arith.extui %sign3A_253 : i1 to i32
      %sign3A_255 = arith.subi %sign3A_251, %sign3A_254 : i32
      %sign3A_256 = arith.constant 0 : i32
      %sign3A_257 = arith.cmpi sgt, %jit3A_247, %sign3A_256 : i32
      %sign3A_258 = arith.extui %sign3A_257 : i1 to i32
      %sign3A_259 = arith.constant 0 : i32
      %sign3A_260 = arith.cmpi slt, %jit3A_247, %sign3A_259 : i32
      %sign3A_261 = arith.extui %sign3A_260 : i1 to i32
      %sign3A_262 = arith.subi %sign3A_258, %sign3A_261 : i32
      %ne3A_263 = arith.cmpi ne, %sign3A_255, %sign3A_262 : i32
      %rem3A_264 = arith.remsi %scan3A_13, %jit3A_247 : i32
      %ne3A_265 = arith.constant 0 : i32
      %ne3A_266 = arith.cmpi ne, %rem3A_264, %ne3A_265 : i32
      %and3A_267 = arith.andi %ne3A_263, %ne3A_266 : i1
      %sub3A_268 = arith.constant 1 : i32
      %sub3A_269 = arith.subi %div3A_248, %sub3A_268 : i32
      %select_n3A_270 = arith.select %and3A_267, %sub3A_269, %div3A_248 : i32
      %mul3A_271 = arith.constant 16 : i32
      %mul3A_272 = arith.muli %select_n3A_270, %mul3A_271 : i32
      %sub3A_273 = arith.subi %scan3A_13, %mul3A_272 : i32
      %eq3A_274 = vector.broadcast %sub3A_273 : i32 to vector<16xi32>
      %eq3A_275 = arith.cmpi eq, %iota3A, %eq3A_274 : vector<16xi32>
      %get3A_276 = arith.index_cast %mul3A_272 : i32 to index
      %get3A_277 = tpu.vector_load %arg15[%get3A_276] {strides = array<i32>} : memref<32xf32, #tpu.memory_space<vmem>>, vector<16xf32>,
      %broadcast_in_dim3A_278 = vector.broadcast %add3A_244 : f32 to vector<16xf32>
      %select_n3A_279 = arith.select %eq3A_275, %broadcast_in_dim3A_278, %get3A_277 : vector<16xi1>, vector<16xf32>
      %swap3A = arith.index_cast %mul3A_272 : i32 to index
      %swap3A_280 = tpu.vector_load %arg15[%swap3A] {strides = array<i32>} : memref<32xf32, #tpu.memory_space<vmem>>, vector<16xf32>,
      tpu.vector_store %arg15[%swap3A], %select_n3A_279 {strides = array<i32>} : memref<32xf32, #tpu.memory_space<vmem>>, vector<16xf32>,
      %get3A_281 = arith.index_cast %mul3A_272 : i32 to index
      %get3A_282 = tpu.vector_load %arg16[%get3A_281] {strides = array<i32>} : memref<32xf32, #tpu.memory_space<vmem>>, vector<16xf32>,
      %broadcast_in_dim3A_283 = vector.broadcast %add3A_246 : f32 to vector<16xf32>
      %select_n3A_284 = arith.select %eq3A_275, %broadcast_in_dim3A_283, %get3A_282 : vector<16xi1>, vector<16xf32>
      %swap3A_285 = arith.index_cast %mul3A_272 : i32 to index
      %swap3A_286 = tpu.vector_load %arg16[%swap3A_285] {strides = array<i32>} : memref<32xf32, #tpu.memory_space<vmem>>, vector<16xf32>,
      tpu.vector_store %arg16[%swap3A_285], %select_n3A_284 {strides = array<i32>} : memref<32xf32, #tpu.memory_space<vmem>>, vector<16xf32>,
      %get3A_287 = arith.index_cast %mul3A_272 : i32 to index
      %get3A_288 = tpu.vector_load %arg17[%get3A_287] {strides = array<i32>} : memref<32xf32, #tpu.memory_space<vmem>>, vector<16xf32>,
      %broadcast_in_dim3A_289 = vector.broadcast %reduce_sum3A_170 : f32 to vector<16xf32>
      %select_n3A_290 = arith.select %eq3A_275, %broadcast_in_dim3A_289, %get3A_288 : vector<16xi1>, vector<16xf32>
      %swap3A_291 = arith.index_cast %mul3A_272 : i32 to index
      %swap3A_292 = tpu.vector_load %arg17[%swap3A_291] {strides = array<i32>} : memref<32xf32, #tpu.memory_space<vmem>>, vector<16xf32>,
      tpu.vector_store %arg17[%swap3A_291], %select_n3A_290 {strides = array<i32>} : memref<32xf32, #tpu.memory_space<vmem>>, vector<16xf32>,
      %get3A_293 = arith.index_cast %mul3A_272 : i32 to index
      %get3A_294 = tpu.vector_load %arg18[%get3A_293] {strides = array<i32>} : memref<32xf32, #tpu.memory_space<vmem>>, vector<16xf32>,
      %broadcast_in_dim3A_295 = vector.broadcast %reduce_sum3A_206 : f32 to vector<16xf32>
      %select_n3A_296 = arith.select %eq3A_275, %broadcast_in_dim3A_295, %get3A_294 : vector<16xi1>, vector<16xf32>
      %swap3A_297 = arith.index_cast %mul3A_272 : i32 to index
      %swap3A_298 = tpu.vector_load %arg18[%swap3A_297] {strides = array<i32>} : memref<32xf32, #tpu.memory_space<vmem>>, vector<16xf32>,
      tpu.vector_store %arg18[%swap3A_297], %select_n3A_296 {strides = array<i32>} : memref<32xf32, #tpu.memory_space<vmem>>, vector<16xf32>,
      %get3A_299 = arith.index_cast %mul3A_272 : i32 to index
      %get3A_300 = tpu.vector_load %arg19[%get3A_299] {strides = array<i32>} : memref<32xf32, #tpu.memory_space<vmem>>, vector<16xf32>,
      %broadcast_in_dim3A_301 = vector.broadcast %reduce_sum3A_242 : f32 to vector<16xf32>
      %select_n3A_302 = arith.select %eq3A_275, %broadcast_in_dim3A_301, %get3A_300 : vector<16xi1>, vector<16xf32>
      %swap3A_303 = arith.index_cast %mul3A_272 : i32 to index
      %swap3A_304 = tpu.vector_load %arg19[%swap3A_303] {strides = array<i32>} : memref<32xf32, #tpu.memory_space<vmem>>, vector<16xf32>,
      tpu.vector_store %arg19[%swap3A_303], %select_n3A_302 {strides = array<i32>} : memref<32xf32, #tpu.memory_space<vmem>>, vector<16xf32>,
      %get3A_305 = arith.index_cast %mul3A_272 : i32 to index
      %get3A_306 = tpu.vector_load %arg20[%get3A_305] {strides = array<i32>} : memref<32xf32, #tpu.memory_space<vmem>>, vector<16xf32>,
      %broadcast_in_dim3A_307 = vector.broadcast %mul3A_26 : f32 to vector<16xf32>
      %select_n3A_308 = arith.select %eq3A_275, %broadcast_in_dim3A_307, %get3A_306 : vector<16xi1>, vector<16xf32>
      %swap3A_309 = arith.index_cast %mul3A_272 : i32 to index
      %swap3A_310 = tpu.vector_load %arg20[%swap3A_309] {strides = array<i32>} : memref<32xf32, #tpu.memory_space<vmem>>, vector<16xf32>,
      tpu.vector_store %arg20[%swap3A_309], %select_n3A_308 {strides = array<i32>} : memref<32xf32, #tpu.memory_space<vmem>>, vector<16xf32>,
      %scan3A_311 = arith.constant 0 : i32
      scf.yield %scan3A_311 : i32
    }
    %scan3A_12 = arith.constant 32 : i32
    "tpu.region"() ({
      %run_scoped3A = tpu.sem_alloc : memref<!tpu.dma_semaphore, #tpu.memory_space<semaphore_mem>>
      %dma_start3A = tpu.memref_slice %arg3[%mul3A_2] : memref<1024xf32, #tpu.memory_space<hbm>> -> memref<32xf32, #tpu.memory_space<hbm>>
      %dma_start3A_13 = tpu.memref_slice %arg3[%mul3A_2] : memref<1024xf32, #tpu.memory_space<hbm>> -> memref<32xf32, #tpu.memory_space<hbm>>
      tpu.enqueue_dma source(%arg15 : memref<32xf32, #tpu.memory_space<vmem>>) target(%dma_start3A_13 : memref<32xf32, #tpu.memory_space<hbm>>) target_semaphore(%run_scoped3A : memref<!tpu.dma_semaphore, #tpu.memory_space<semaphore_mem>>)
      %dma_wait3A = tpu.memref_slice %arg3[%mul3A_2] : memref<1024xf32, #tpu.memory_space<hbm>> -> memref<32xf32, #tpu.memory_space<hbm>>
      %dma_wait3A_14 = tpu.memref_slice %arg3[%mul3A_2] : memref<1024xf32, #tpu.memory_space<hbm>> -> memref<32xf32, #tpu.memory_space<hbm>>
      tpu.wait_dma2 semaphore(%run_scoped3A : memref<!tpu.dma_semaphore, #tpu.memory_space<semaphore_mem>>) src(%arg15 : memref<32xf32, #tpu.memory_space<vmem>>) dst(%dma_wait3A_14 : memref<32xf32, #tpu.memory_space<hbm>>)
      tpu.yield
    }) : () -> ()
    "tpu.region"() ({
      %run_scoped3A = tpu.sem_alloc : memref<!tpu.dma_semaphore, #tpu.memory_space<semaphore_mem>>
      %dma_start3A = tpu.memref_slice %arg4[%mul3A_2] : memref<1024xf32, #tpu.memory_space<hbm>> -> memref<32xf32, #tpu.memory_space<hbm>>
      %dma_start3A_13 = tpu.memref_slice %arg4[%mul3A_2] : memref<1024xf32, #tpu.memory_space<hbm>> -> memref<32xf32, #tpu.memory_space<hbm>>
      tpu.enqueue_dma source(%arg16 : memref<32xf32, #tpu.memory_space<vmem>>) target(%dma_start3A_13 : memref<32xf32, #tpu.memory_space<hbm>>) target_semaphore(%run_scoped3A : memref<!tpu.dma_semaphore, #tpu.memory_space<semaphore_mem>>)
      %dma_wait3A = tpu.memref_slice %arg4[%mul3A_2] : memref<1024xf32, #tpu.memory_space<hbm>> -> memref<32xf32, #tpu.memory_space<hbm>>
      %dma_wait3A_14 = tpu.memref_slice %arg4[%mul3A_2] : memref<1024xf32, #tpu.memory_space<hbm>> -> memref<32xf32, #tpu.memory_space<hbm>>
      tpu.wait_dma2 semaphore(%run_scoped3A : memref<!tpu.dma_semaphore, #tpu.memory_space<semaphore_mem>>) src(%arg16 : memref<32xf32, #tpu.memory_space<vmem>>) dst(%dma_wait3A_14 : memref<32xf32, #tpu.memory_space<hbm>>)
      tpu.yield
    }) : () -> ()
    "tpu.region"() ({
      %run_scoped3A = tpu.sem_alloc : memref<!tpu.dma_semaphore, #tpu.memory_space<semaphore_mem>>
      %dma_start3A = tpu.memref_slice %arg5[%mul3A_2] : memref<1024xf32, #tpu.memory_space<hbm>> -> memref<32xf32, #tpu.memory_space<hbm>>
      %dma_start3A_13 = tpu.memref_slice %arg5[%mul3A_2] : memref<1024xf32, #tpu.memory_space<hbm>> -> memref<32xf32, #tpu.memory_space<hbm>>
      tpu.enqueue_dma source(%arg17 : memref<32xf32, #tpu.memory_space<vmem>>) target(%dma_start3A_13 : memref<32xf32, #tpu.memory_space<hbm>>) target_semaphore(%run_scoped3A : memref<!tpu.dma_semaphore, #tpu.memory_space<semaphore_mem>>)
      %dma_wait3A = tpu.memref_slice %arg5[%mul3A_2] : memref<1024xf32, #tpu.memory_space<hbm>> -> memref<32xf32, #tpu.memory_space<hbm>>
      %dma_wait3A_14 = tpu.memref_slice %arg5[%mul3A_2] : memref<1024xf32, #tpu.memory_space<hbm>> -> memref<32xf32, #tpu.memory_space<hbm>>
      tpu.wait_dma2 semaphore(%run_scoped3A : memref<!tpu.dma_semaphore, #tpu.memory_space<semaphore_mem>>) src(%arg17 : memref<32xf32, #tpu.memory_space<vmem>>) dst(%dma_wait3A_14 : memref<32xf32, #tpu.memory_space<hbm>>)
      tpu.yield
    }) : () -> ()
    "tpu.region"() ({
      %run_scoped3A = tpu.sem_alloc : memref<!tpu.dma_semaphore, #tpu.memory_space<semaphore_mem>>
      %dma_start3A = tpu.memref_slice %arg6[%mul3A_2] : memref<1024xf32, #tpu.memory_space<hbm>> -> memref<32xf32, #tpu.memory_space<hbm>>
      %dma_start3A_13 = tpu.memref_slice %arg6[%mul3A_2] : memref<1024xf32, #tpu.memory_space<hbm>> -> memref<32xf32, #tpu.memory_space<hbm>>
      tpu.enqueue_dma source(%arg18 : memref<32xf32, #tpu.memory_space<vmem>>) target(%dma_start3A_13 : memref<32xf32, #tpu.memory_space<hbm>>) target_semaphore(%run_scoped3A : memref<!tpu.dma_semaphore, #tpu.memory_space<semaphore_mem>>)
      %dma_wait3A = tpu.memref_slice %arg6[%mul3A_2] : memref<1024xf32, #tpu.memory_space<hbm>> -> memref<32xf32, #tpu.memory_space<hbm>>
      %dma_wait3A_14 = tpu.memref_slice %arg6[%mul3A_2] : memref<1024xf32, #tpu.memory_space<hbm>> -> memref<32xf32, #tpu.memory_space<hbm>>
      tpu.wait_dma2 semaphore(%run_scoped3A : memref<!tpu.dma_semaphore, #tpu.memory_space<semaphore_mem>>) src(%arg18 : memref<32xf32, #tpu.memory_space<vmem>>) dst(%dma_wait3A_14 : memref<32xf32, #tpu.memory_space<hbm>>)
      tpu.yield
    }) : () -> ()
    "tpu.region"() ({
      %run_scoped3A = tpu.sem_alloc : memref<!tpu.dma_semaphore, #tpu.memory_space<semaphore_mem>>
      %dma_start3A = tpu.memref_slice %arg7[%mul3A_2] : memref<1024xf32, #tpu.memory_space<hbm>> -> memref<32xf32, #tpu.memory_space<hbm>>
      %dma_start3A_13 = tpu.memref_slice %arg7[%mul3A_2] : memref<1024xf32, #tpu.memory_space<hbm>> -> memref<32xf32, #tpu.memory_space<hbm>>
      tpu.enqueue_dma source(%arg19 : memref<32xf32, #tpu.memory_space<vmem>>) target(%dma_start3A_13 : memref<32xf32, #tpu.memory_space<hbm>>) target_semaphore(%run_scoped3A : memref<!tpu.dma_semaphore, #tpu.memory_space<semaphore_mem>>)
      %dma_wait3A = tpu.memref_slice %arg7[%mul3A_2] : memref<1024xf32, #tpu.memory_space<hbm>> -> memref<32xf32, #tpu.memory_space<hbm>>
      %dma_wait3A_14 = tpu.memref_slice %arg7[%mul3A_2] : memref<1024xf32, #tpu.memory_space<hbm>> -> memref<32xf32, #tpu.memory_space<hbm>>
      tpu.wait_dma2 semaphore(%run_scoped3A : memref<!tpu.dma_semaphore, #tpu.memory_space<semaphore_mem>>) src(%arg19 : memref<32xf32, #tpu.memory_space<vmem>>) dst(%dma_wait3A_14 : memref<32xf32, #tpu.memory_space<hbm>>)
      tpu.yield
    }) : () -> ()
    "tpu.region"() ({
      %run_scoped3A = tpu.sem_alloc : memref<!tpu.dma_semaphore, #tpu.memory_space<semaphore_mem>>
      %dma_start3A = tpu.memref_slice %arg8[%mul3A_2] : memref<1024xf32, #tpu.memory_space<hbm>> -> memref<32xf32, #tpu.memory_space<hbm>>
      %dma_start3A_13 = tpu.memref_slice %arg8[%mul3A_2] : memref<1024xf32, #tpu.memory_space<hbm>> -> memref<32xf32, #tpu.memory_space<hbm>>
      tpu.enqueue_dma source(%arg20 : memref<32xf32, #tpu.memory_space<vmem>>) target(%dma_start3A_13 : memref<32xf32, #tpu.memory_space<hbm>>) target_semaphore(%run_scoped3A : memref<!tpu.dma_semaphore, #tpu.memory_space<semaphore_mem>>)
      %dma_wait3A = tpu.memref_slice %arg8[%mul3A_2] : memref<1024xf32, #tpu.memory_space<hbm>> -> memref<32xf32, #tpu.memory_space<hbm>>
      %dma_wait3A_14 = tpu.memref_slice %arg8[%mul3A_2] : memref<1024xf32, #tpu.memory_space<hbm>> -> memref<32xf32, #tpu.memory_space<hbm>>
      tpu.wait_dma2 semaphore(%run_scoped3A : memref<!tpu.dma_semaphore, #tpu.memory_space<semaphore_mem>>) src(%arg20 : memref<32xf32, #tpu.memory_space<vmem>>) dst(%dma_wait3A_14 : memref<32xf32, #tpu.memory_space<hbm>>)
      tpu.yield
    }) : () -> ()
    return
  }
}

module attributes {stable_mosaic.version = 14 : i64} {
  func.func @_am_body(%arg0: i32, %arg1: memref<8x100000xf32, #tpu.memory_space<vmem>>, %arg2: memref<1x1x8xi32, #tpu.memory_space<vmem>>) attributes {dimension_semantics = [#tpu.dimension_semantics<arbitrary>], iteration_bounds = array<i64: 128>, scalar_prefetch = 0 : i64, scratch_operands = 0 : i64, tpu.core_type = #tpu.core_type<tc>, window_params = [{transform_indices = @transform_0, window_bounds = array<i64: 8, 100000>}, {transform_indices = @transform_1, window_bounds = array<i64: 1, 1, 8>}]} {
    %get3A = arith.constant 0 : index
    %get3A_0 = arith.constant 0 : index
    %get3A_1 = vector.load %arg1[%get3A, %get3A_0] : memref<8x100000xf32, #tpu.memory_space<vmem>>, vector<8x100000xf32>
    %iota3A = tpu.iota {dimensions = array<i32: 1>} : vector<8x100000xi32>
    %reduce_max3A = arith.constant dense<0xFF800000> : vector<8xf32>
    %reduce_max3A_2 = vector.multi_reduction <maximumf>, %get3A_1, %reduce_max3A [1] : vector<8x100000xf32> to vector<8xf32>
    %broadcast_in_dim3A = vector.shape_cast %reduce_max3A_2 : vector<8xf32> to vector<8x1xf32>
    %eq3A = vector.broadcast %broadcast_in_dim3A : vector<8x1xf32> to vector<8x100000xf32>
    %eq3A_3 = arith.cmpf oeq, %get3A_1, %eq3A : vector<8x100000xf32>
    %jit3A = arith.constant 2147483647 : i32
    %broadcast_in_dim3A_4 = vector.broadcast %jit3A : i32 to vector<8x100000xi32>
    %select_n3A = arith.select %eq3A_3, %iota3A, %broadcast_in_dim3A_4 : vector<8x100000xi1>, vector<8x100000xi32>
    %reduce_min3A = arith.constant dense<2147483647> : vector<8xi32>
    %reduce_min3A_5 = vector.multi_reduction <minsi>, %select_n3A, %reduce_min3A [1] : vector<8x100000xi32> to vector<8xi32>
    %reshape3A = vector.shape_cast %reduce_min3A_5 : vector<8xi32> to vector<1x1x8xi32>
    %swap3A = arith.constant 0 : index
    %swap3A_6 = arith.constant 0 : index
    %swap3A_7 = arith.constant 0 : index
    %swap3A_8 = vector.load %arg2[%swap3A, %swap3A_6, %swap3A_7] : memref<1x1x8xi32, #tpu.memory_space<vmem>>, vector<1x1x8xi32>
    tpu.vector_store %arg2[%swap3A, %swap3A_6, %swap3A_7], %reshape3A {strides = array<i32>} : memref<1x1x8xi32, #tpu.memory_space<vmem>>, vector<1x1x8xi32>,
    return
  }
  func.func @transform_0(%arg0: i32) -> (i32, i32) {
    %c0_i32 = arith.constant 0 : i32
    %c0_i32_0 = arith.constant 0 : i32
    return %arg0, %c0_i32 : i32, i32
  }
  func.func @transform_1(%arg0: i32) -> (i32, i32, i32) {
    %c0_i32 = arith.constant 0 : i32
    %c0_i32_0 = arith.constant 0 : i32
    %c0_i32_1 = arith.constant 0 : i32
    return %arg0, %c0_i32, %c0_i32_0 : i32, i32, i32
  }
}

module attributes {stable_mosaic.version = 14 : i64} {
  func.func @_tc_body(%arg0: memref<1xi32, #tpu.memory_space<smem>>, %arg1: memref<8x128xf32, #tpu.memory_space<vmem>>, %arg2: memref<8x128xf32, #tpu.memory_space<vmem>>, %arg3: memref<8x128xf32, #tpu.memory_space<vmem>>, %arg4: memref<8x128xf32, #tpu.memory_space<vmem>>, %arg5: memref<8x128xf32, #tpu.memory_space<vmem>>, %arg6: memref<8x128xf32, #tpu.memory_space<vmem>>, %arg7: memref<8x128xi32, #tpu.memory_space<vmem>>, %arg8: memref<8x128xi32, #tpu.memory_space<vmem>>, %arg9: memref<8x128xf32, #tpu.memory_space<vmem>>) attributes {dimension_semantics = [], scalar_prefetch = 0 : i64, scratch_operands = 0 : i64, tpu.core_type = #tpu.core_type<tc>} {
    %get3A = arith.constant 0 : index
    %get3A_0 = arith.constant 0 : index
    %get3A_1 = vector.load %arg1[%get3A, %get3A_0] : memref<8x128xf32, #tpu.memory_space<vmem>>, vector<8x128xf32>
    %get3A_2 = arith.constant 0 : index
    %get3A_3 = arith.constant 0 : index
    %get3A_4 = vector.load %arg2[%get3A_2, %get3A_3] : memref<8x128xf32, #tpu.memory_space<vmem>>, vector<8x128xf32>
    %get3A_5 = arith.constant 0 : index
    %get3A_6 = arith.constant 0 : index
    %get3A_7 = vector.load %arg3[%get3A_5, %get3A_6] : memref<8x128xf32, #tpu.memory_space<vmem>>, vector<8x128xf32>
    %get3A_8 = arith.constant 0 : index
    %get3A_9 = arith.constant 0 : index
    %get3A_10 = vector.load %arg4[%get3A_8, %get3A_9] : memref<8x128xf32, #tpu.memory_space<vmem>>, vector<8x128xf32>
    %get3A_11 = arith.constant 0 : index
    %get3A_12 = arith.constant 0 : index
    %get3A_13 = vector.load %arg5[%get3A_11, %get3A_12] : memref<8x128xf32, #tpu.memory_space<vmem>>, vector<8x128xf32>
    %get3A_14 = arith.constant 0 : index
    %get3A_15 = arith.constant 0 : index
    %get3A_16 = vector.load %arg6[%get3A_14, %get3A_15] : memref<8x128xf32, #tpu.memory_space<vmem>>, vector<8x128xf32>
    %div3A = arith.divf %get3A_7, %get3A_13 : vector<8x128xf32>
    %div3A_17 = arith.divf %get3A_10, %get3A_13 : vector<8x128xf32>
    %sub3A = arith.subf %get3A_16, %get3A_1 : vector<8x128xf32>
    %div3A_18 = arith.divf %sub3A, %div3A : vector<8x128xf32>
    %min3A = arith.minimumf %div3A_18, %get3A_13 : vector<8x128xf32>
    %floor3A = math.floor %min3A : vector<8x128xf32>
    %add3A = arith.constant 1.000000e+00 : f32
    %add3A_19 = vector.broadcast %add3A : f32 to vector<8x128xf32>
    %add3A_20 = arith.addf %floor3A, %add3A_19 : vector<8x128xf32>
    %min3A_21 = arith.minimumf %get3A_13, %add3A_20 : vector<8x128xf32>
    %mul3A = arith.mulf %min3A_21, %div3A : vector<8x128xf32>
    %add3A_22 = arith.addf %get3A_1, %mul3A : vector<8x128xf32>
    %mul3A_23 = arith.mulf %min3A_21, %div3A_17 : vector<8x128xf32>
    %add3A_24 = arith.addf %get3A_4, %mul3A_23 : vector<8x128xf32>
    %div3A_25 = arith.divf %add3A_24, %add3A_22 : vector<8x128xf32>
    %log3A = math.log %add3A_22 : vector<8x128xf32>
    %sub3A_26 = arith.subf %div3A_25, %log3A : vector<8x128xf32>
    %swap3A = arith.constant 0 : index
    %swap3A_27 = arith.constant 0 : index
    %swap3A_28 = vector.load %arg9[%swap3A, %swap3A_27] : memref<8x128xf32, #tpu.memory_space<vmem>>, vector<8x128xf32>
    tpu.vector_store %arg9[%swap3A, %swap3A_27], %sub3A_26 {strides = array<i32>} : memref<8x128xf32, #tpu.memory_space<vmem>>, vector<8x128xf32>,
    %get3A_29 = arith.constant 0 : index
    %get3A_30 = arith.constant 0 : index
    %get3A_31 = vector.load %arg7[%get3A_29, %get3A_30] : memref<8x128xi32, #tpu.memory_space<vmem>>, vector<8x128xi32>
    %get3A_32 = arith.constant 0 : index
    %get3A_33 = memref.load %arg0[%get3A_32] : memref<1xi32, #tpu.memory_space<smem>>
    %iota3A = tpu.iota {dimensions = array<i32: 1>} : vector<8x128xi32>
    %broadcast_in_dim3A = arith.constant 151666 : i32
    %broadcast_in_dim3A_34 = vector.broadcast %broadcast_in_dim3A : i32 to vector<8x128xi32>
    %scan3A = arith.constant -3.40282347E+38 : f32
    %scan3A_35 = arith.constant 0 : i32
    %scan3A_36 = arith.constant 16 : i32
    %scan3A_37 = arith.addi %scan3A_35, %scan3A_36 : i32
    %scan3A_38 = arith.constant 1 : i32
    %scan3A_39:2 = scf.for %scan3A_44 = %scan3A_35 to %scan3A_37 step %scan3A_38 iter_args(%scan3A_45 = %broadcast_in_dim3A_34, %scan3A_46 = %sub3A_26) -> (vector<8x128xi32>, vector<8x128xf32>)  : i32 {
      %reduce_max3A = arith.constant dense<0xFF800000> : vector<8xf32>
      %reduce_max3A_47 = vector.multi_reduction <maximumf>, %scan3A_46, %reduce_max3A [1] : vector<8x128xf32> to vector<8xf32>
      %broadcast_in_dim3A_48 = vector.shape_cast %reduce_max3A_47 : vector<8xf32> to vector<8x1xf32>
      %eq3A = vector.broadcast %broadcast_in_dim3A_48 : vector<8x1xf32> to vector<8x128xf32>
      %eq3A_49 = arith.cmpf oeq, %scan3A_46, %eq3A : vector<8x128xf32>
      %jit3A = arith.constant 2147483647 : i32
      %broadcast_in_dim3A_50 = vector.broadcast %jit3A : i32 to vector<8x128xi32>
      %select_n3A = arith.select %eq3A_49, %iota3A, %broadcast_in_dim3A_50 : vector<8x128xi1>, vector<8x128xi32>
      %reduce_min3A = arith.constant dense<2147483647> : vector<8xi32>
      %reduce_min3A_51 = vector.multi_reduction <minsi>, %select_n3A, %reduce_min3A [1] : vector<8x128xi32> to vector<8xi32>
      %broadcast_in_dim3A_52 = vector.shape_cast %reduce_min3A_51 : vector<8xi32> to vector<8x1xi32>
      %eq3A_53 = vector.broadcast %broadcast_in_dim3A_52 : vector<8x1xi32> to vector<8x128xi32>
      %eq3A_54 = arith.cmpi eq, %iota3A, %eq3A_53 : vector<8x128xi32>
      %lt3A = arith.cmpi slt, %scan3A_44, %get3A_33 : i32
      %jit3A_55 = arith.constant 151666 : i32
      %broadcast_in_dim3A_56 = vector.broadcast %jit3A_55 : i32 to vector<8x128xi32>
      %select_n3A_57 = arith.select %lt3A, %get3A_31, %broadcast_in_dim3A_56 : vector<8x128xi32>
      %select_n3A_58 = arith.select %eq3A_54, %select_n3A_57, %scan3A_45 : vector<8x128xi1>, vector<8x128xi32>
      %broadcast_in_dim3A_59 = vector.broadcast %scan3A : f32 to vector<8x128xf32>
      %select_n3A_60 = arith.select %eq3A_54, %broadcast_in_dim3A_59, %scan3A_46 : vector<8x128xi1>, vector<8x128xf32>
      scf.yield %select_n3A_58, %select_n3A_60 : vector<8x128xi32>, vector<8x128xf32>
    }
    %scan3A_40 = arith.constant 16 : i32
    %swap3A_41 = arith.constant 0 : index
    %swap3A_42 = arith.constant 0 : index
    %swap3A_43 = vector.load %arg8[%swap3A_41, %swap3A_42] : memref<8x128xi32, #tpu.memory_space<vmem>>, vector<8x128xi32>
    tpu.vector_store %arg8[%swap3A_41, %swap3A_42], %scan3A_39#0 {strides = array<i32>} : memref<8x128xi32, #tpu.memory_space<vmem>>, vector<8x128xi32>,
    return
  }
}

</mosaic_0001>

<sc_bundles>
// kernel: kernel.5.cloned.1.call-start
scs
__scs_entry_jumppad:
0x0: {  	(pc) =	sbr.rel $0x88, $3  }
0x1: {  	(tag) =	ssettag $0x0;
	lr =	simm.s32 $0x1  }
0x2: {  	[smem:$0x3F9F] =	sst lr;
	_ =	strace $0xD0000000  }
0x3: {  	_ = 	snop  }
0x4: {  	_ = 	snop  }
0x5: {  	_ = 	snop  }
0x6: {  	_ = 	snop  }
0x7: {  	_ = 	snop  }
__scs_overlays_trampoline_lowered:
0x8: {  	[smem:$0x3FAE] =	sst s0  }
0x9: {  	[smem:$0x3FAF] =	sst s1  }
0xa: {  	[smem:$0x3FB0] =	sst s2  }
0xb: {  	[smem:$0x3FB1] =	sst s3  }
0xc: {  	[smem:$0x3FB2] =	sst s4  }
0xd: {  	[smem:$0x3FB3] =	sst s5  }
0xe: {  	[smem:$0x3FB4] =	sst s6  }
0xf: {  	[smem:$0x3FB5] =	sst s7  }
0x10: {  	[smem:$0x3FB6] =	sst s8  }
0x11: {  	[smem:$0x3FB7] =	sst s9;
	s0 =	simm.s32 @!p0 $0x0  }
0x12: {  	s1 =	sld [smem:$0x3F9D];
	s0 =	simm.s32 @p0 $0x1  }
0x13: {  	[smem:$0x3FB8] =	sst s0;
	s0 =	simm.s32 @!p1 $0x0  }
0x14: {  	s2 =	sld [smem:$0x3F9C];
	s0 =	simm.s32 @p1 $0x1  }
0x15: {  	[smem:$0x3FB9] =	sst s0;
	s0 =	simm.s32 @!p2 $0x0  }
0x16: {  	s3 =	sld [smem:$0x3FDB];
	s0 =	simm.s32 @p2 $0x1  }
0x17: {  	s4 =	simm.s32 $0x1BF5;
	[smem:$0x3FBB] =	sst s0  }
0x18: {  	s0 =	sld [smem:$0x3F9E];
	_ =	swait.ge [sflag:s4], $0x0  }
0x19: {  	s7 =	sld [smem:$0x3F9F]  }
0x1a: {  	s8 =	sadd.s32 $0xFFFFE003, lr  }
0x1b: {  	s9 =	sadd.s32 $0xFFFFFEF7, lr;
	s5 =	simm.s32 $0xFFFFFFFF;
	p2 =	slt.u32 s8, $0xFFFFF086  }
0x1c: {  	p1 =	slt.u32 s9, $0xF7A;
	s5 =	simm.s32 @!p2 $0x0  }
0x1d: {  	s5 =	simm.s32 @p1 $0x1;
	p0 =	seq.s32 s7, s2  }
0x1e: {  	s7 =	smul.u32 @!p0 $0xF7A, s2;
	p2 =	seq.s32 @!p0 s5, $0x0  }
0x1f: {  	s9 =	smul.u32 $0xF7A, s1;
	s8 =	simm.s32 @!p0 $0x1BF5;
	p2 =	por !p2, p0  }
0x20: {  	[sflag:s8] =	ssyncset.s32 @!p0 $0xFFFFF086;
	s6 =	sadd.s32 @!p0 s3, s7;
	s7 =	simm.s32 @!p0 $0x108  }
0x21: {  	s3 =	sadd.s32 s3, s9;
	s6 =	sadd.s32 @!p0 $0x88, s6;
	s7 =	simm.s32 @p2 $0x1082  }
0x22: {  	[simem:s7], [sflag:s8] =	dma.local @!p0 [hbm:s6], $0xF7A  }
0x23: {  	s9 =	sor.u32 $0xD0000000, s2;
	s6 =	simm.s32 $0x108;
	_ =	swait.ge @!p0 [sflag:s8], $0x0  }
0x24: {  	s3 =	sadd.s32 $0x88, s3;
	s6 =	simm.s32 @!p1 $0x1082;
	[sflag:s4] =	ssyncset.s32 $0xFFFFF086  }
0x25: {  	[simem:s6], [sflag:s4] =	dma.local [hbm:s3], $0xF7A  }
0x26: {  	[smem:$0x3F9F] =	sst s1;
	(tag) =	ssettag s2;
	_ =	strace s9  }
0x27: {  	s1 =	sld [smem:$0x3FAF]  }
0x28: {  	s2 =	sld [smem:$0x3FB0]  }
0x29: {  	s4 =	sld [smem:$0x3FB2]  }
0x2a: {  	p0 =	seq.s32 s5, $0x0;
	s5 =	sld [smem:$0x3FB3]  }
0x2b: {  	s6 =	sld [smem:$0x3FB4]  }
0x2c: {  	s7 =	sld [smem:$0x3FB5]  }
0x2d: {  	s3 =	simm.s32 $0x108;
	s8 =	sld [smem:$0x3FB6]  }
0x2e: {  	s3 =	simm.s32 @!p0 $0x1082;
	s9 =	sld [smem:$0x3FB7]  }
0x2f: {  	lr =	sadd.s32 s0, s3;
	s0 =	sld [smem:$0x3FAE]  }
0x30: {  	s3 =	sld [smem:$0x3FB1]  }
0x31: {  	[smem:$0x3FBA] =	sst s10  }
0x32: {  	s10 =	sld [smem:$0x3FB8];
	_ =	sdelay $0x3  }
0x33: {  	p0 =	seq.s32 s10, $0x1;
	s10 =	sld [smem:$0x3FBA];
	_ =	sdelay $0x3  }
0x34: {  	[smem:$0x3FBA] =	sst s10  }
0x35: {  	s10 =	sld [smem:$0x3FB9];
	_ =	sdelay $0x3  }
0x36: {  	p1 =	seq.s32 s10, $0x1;
	s10 =	sld [smem:$0x3FBA];
	_ =	sdelay $0x3  }
0x37: {  	[smem:$0x3FBA] =	sst s10  }
0x38: {  	s10 =	sld [smem:$0x3FBB]  }
0x39: {  	_ = 	snop;
	(pc) =	sbr.ind lr, $3  }
0x3a: {  	_ = 	snop  }
0x3b: {  	_ = 	snop  }
0x3c: {  	p2 =	seq.s32 s10, $0x1;
	s10 =	sld [smem:$0x3FBA]  }
0x3d: {  	_ =	shalt  }
0x3e: {  	_ =	shalt  }
0x3f: {  	_ =	shalt  }
0x40: {  	_ =	shalt  }
0x41: {  	_ =	shalt  }
0x42: {  	_ =	shalt  }
0x43: {  	_ =	shalt  }
0x44: {  	_ =	shalt  }
0x45: {  	_ =	shalt  }
0x46: {  	_ =	shalt  }
0x47: {  	_ =	shalt  }
0x48: {  	_ =	shalt  }
0x49: {  	_ =	shalt  }
0x4a: {  	_ =	shalt  }
0x4b: {  	_ =	shalt  }
0x4c: {  	_ =	shalt  }
0x4d: {  	_ =	shalt  }
0x4e: {  	_ =	shalt  }
0x4f: {  	_ =	shalt  }
0x50: {  	_ =	shalt  }
0x51: {  	_ =	shalt  }
0x52: {  	_ =	shalt  }
0x53: {  	_ =	shalt  }
0x54: {  	_ =	shalt  }
0x55: {  	_ =	shalt  }
0x56: {  	_ =	shalt  }
0x57: {  	_ =	shalt  }
0x58: {  	_ =	shalt  }
0x59: {  	_ =	shalt  }
0x5a: {  	_ =	shalt  }
0x5b: {  	_ =	shalt  }
0x5c: {  	_ =	shalt  }
0x5d: {  	_ =	shalt  }
0x5e: {  	_ =	shalt  }
0x5f: {  	_ =	shalt  }
0x60: {  	_ =	shalt  }
0x61: {  	_ =	shalt  }
0x62: {  	_ =	shalt  }
0x63: {  	_ =	shalt  }
0x64: {  	_ =	shalt  }
0x65: {  	_ =	shalt  }
0x66: {  	_ =	shalt  }
0x67: {  	_ =	shalt  }
0x68: {  	_ =	shalt  }
0x69: {  	_ =	shalt  }
0x6a: {  	_ =	shalt  }
0x6b: {  	_ =	shalt  }
0x6c: {  	_ =	shalt  }
0x6d: {  	_ =	shalt  }
0x6e: {  	_ =	shalt  }
0x6f: {  	_ =	shalt  }
0x70: {  	_ =	shalt  }
0x71: {  	_ =	shalt  }
0x72: {  	_ =	shalt  }
0x73: {  	_ =	shalt  }
0x74: {  	_ =	shalt  }
0x75: {  	_ =	shalt  }
0x76: {  	_ =	shalt  }
0x77: {  	_ =	shalt  }
0x78: {  	_ =	shalt  }
0x79: {  	_ =	shalt  }
0x7a: {  	_ =	shalt  }
0x7b: {  	_ =	shalt  }
0x7c: {  	_ =	shalt  }
0x7d: {  	_ =	shalt  }
0x7e: {  	_ =	shalt  }
0x7f: {  	_ =	shalt  }
0x80: {  	_ =	shalt  }
0x81: {  	_ =	shalt  }
0x82: {  	_ =	shalt  }
0x83: {  	_ =	shalt  }
0x84: {  	_ =	shalt  }
0x85: {  	_ =	shalt  }
0x86: {  	_ =	shalt  }
0x87: {  	_ =	shalt  }
.Lfunc_end0:
.L_simem_size_0:
called_computation_lowered:
.L_overlay_start_0:
0x88: {  	s2 =	sld [smem:$0x3FD9]  }
0x89: {  	s3 =	sld [smem:$0x3FFE];
	_ =	sdelay $0x1  }
0x8a: {  	s1 =	srdreg.scid  }
0x8b: {  	s0 =	sand.u32 $0x1, s1  }
0x8c: {  	s14 =	sshll.u32 s0, $0xA;
	s2 =	sadd.s32 s3, s2  }
0x8d: {  	s2 =	sadd.s32 s2, s14  }
0x8e: {  	[smem:$0x3FC6] =	sst s2  }
0x8f: {  	_ = 	snop  }
0x90: {  	s2 =	sld [smem:$0x3FD0];
	_ =	sdelay $0x2  }
0x91: {  	s15 =	simm.s32 $0xA;
	s4 =	simm.s32 $0x10  }
0x92: {  	[smem:s4], [sflag:s15] =	dma.local [hbm:s2], $0x1  }
0x93: {  	_ =	swait.eq [sflag:s15], $0x1  }
0x94: {  	[sflag:s15] =	ssyncset.done $0x0  }
0x95: {  	s16 =	sld [smem:$0x10];
	[sflag:s15] =	ssyncadd.s32 $0xFFFFFFFF  }
0x96: {  	s17 =	sld [smem:$0x11];
	(tm) =	ssettm $0x1  }
0x97: {  	s18 =	sld [smem:$0x3FFB];
	_ =	sdelay $0x3  }
0x98: {  	_ =	strace s18  }
0x99: {  	s4 =	sld [smem:$0x3FFC];
	_ =	sdelay $0x3  }
0x9a: {  	_ =	strace s4  }
0x9b: {  	s4 =	sld [smem:$0x3FFD];
	_ =	sdelay $0x3  }
0x9c: {  	_ =	strace s4  }
0x9d: {  	_ =	strace $0x8FFFFFFF  }
0x9e: {  	s19 =	sld [smem:$0x3FDB];
	_ =	sdelay $0x1  }
0x9f: {  	s5 =	simm.s32 $_scs_section_size  }
0xa0: {  	s6 =	simm.s32 $_size__tile_overlayer_lowered;
	s7 =	simm.s32 $_tile_overlayer_lowered  }
0xa1: {  	s22 =	simm.s32 $0x1BFF;
	s21 =	sshll.u32 s7, $0x1;
	s4 =	sadd.s32 s5, s19  }
0xa2: {  	s8 =	simm.s32 $0x0;
	s20 =	sshll.u32 s6, $0x1;
	s6 =	sadd.s32 s21, s4  }
0xa3: {  	[timem:s8], [sflag:s22] =	dma.local [hbm:s6], s20  }
0xa4: {  	_ =	swait.ge [sflag:s22], s20  }
0xa5: {  	s5 =	ssub.s32 $0x0, s20;
	[sflag:s22] =	ssyncset.done $0x0  }
0xa6: {  	[sflag:s22] =	ssyncadd.s32 s5;
	_ =	sdelay $0x1  }
0xa7: {  	s23 =	simm.s32 $0x1B8B  }
0xa8: {  	_ =	swait.ge [sflag:s23], $0x1  }
0xa9: {  	[sflag:s23] =	ssyncset.done $0x0  }
0xaa: {  	s25 =	simm.s32 $0x1B8E;
	s24 =	sld [smem:$0x3FFE];
	[sflag:s23] =	ssyncadd.s32 $0xFFFFFFFF  }
0xab: {  	s26 =	simm.s32 $execute0_lowered;
	[smem:$0x3FD2] =	sst s25  }
0xac: {  	s6 =	sshll.u32 s26, $0x1;
	_ =	strace $0x80000046;
	[dreg:$0x1] =	wrdreg $0xFFFFFFFF  }
0xad: {  	s28 =	simm.s32 $_size_execute0_lowered;
	s4 =	sadd.s32 s4, s6;
	[dreg:$0x0] =	wrdreg $0x0  }
0xae: {  	s6 =	sshll.u32 s28, $0x1;
	[dreg:$0x2] =	wrdreg s4  }
0xaf: {  	[dreg:$0x3] =	wrdreg s6  }
0xb0: {  	[dreg:$0x4] =	wrdreg $0xC0  }
0xb1: {  	_ =	task [dreg:s8], $0x5FFFF  }
0xb2: {  	[dreg:$0x1] =	wrdreg $0xFFFFFFFF  }
0xb3: {  	[dreg:$0x0] =	wrdreg $0x60  }
0xb4: {  	[dreg:$0x2] =	wrdreg s24  }
0xb5: {  	[dreg:$0x3] =	wrdreg s17  }
0xb6: {  	[dreg:$0x4] =	wrdreg s16  }
0xb7: {  	[dreg:$0x5] =	wrdreg $0x9  }
0xb8: {  	_ =	task.clear_ibuf [dreg:s8], $0x6FFFF;
	_ =	strace $0x90000046  }
0xb9: {  	s29 =	simm.s32 $0x9;
	_ =	strace $0x80000048  }
0xba: {  	_ =	swait.ge [sflag:s29], $0x1  }
0xbb: {  	[sflag:s29] =	ssyncadd.s32 $0xFFFFFFFF  }
0xbc: {  	_ =	strace $0x90000048  }
0xbd: {  	_ =	sfence  }
0xbe: {  	s30 =	sld [smem:$0x0];
	_ =	sdelay $0x2  }
0xbf: {  	s31 =	sshll.u32 s1, $0xD;
	s1 =	sshrl.u32 s1, $0x2  }
0xc0: {  	s3 =	sand.u32 $0x4000, s31;
	s1 =	sadd.s32 s1, s30  }
0xc1: {  	s0 =	sor.u32 s3, s0;
	s1 =	sshll.u32 s1, $0x11  }
0xc2: {  	s0 =	sor.u32 s1, s0  }
0xc3: {  	s0 =	sadd.s32 $0x8F2B, s0  }
0xc4: {  	[sflag:s0] =	ssyncadd.remote.s32 $0x1  }
0xc5: {  	_ =	sfence.sel $0xFFFF  }
0xc6: {  	[dreg:$0x0] =	wrdreg $0xFFFFFFFF;
	(pc) =	sbr.abs _section_cstart, $3  }
0xc7: {  	[dreg:$0x1] =	wrdreg $0xFFFFFFFF  }
0xc8: {  	_ =	task.clear_ibuf [dreg:s8], $0x2FFFF;
	_ =	strace $0x9FFFFFFF  }
0xc9: {  	(tm) =	ssettm $0x7FFFFFFF  }
tec
execute0_lowered:
.L_overlay_start_1:
0x0: {  	(tag) =	ssettag $0x1  }
0x1: {  	s0 =	rddreg [dreg:$0x0]  }
0x2: {  	s1 =	rddreg [dreg:$0x1]  }
0x3: {  	s6 =	rddreg [dreg:$0x2];
	s3 =	srdreg.scid;
	s2 =	simm.s32 $0x0  }
0x4: {  	s5 =	stileid.u32;
	s12 =	simm.s32 $0x80;
	s13 =	simm.s32 $0x400  }
0x5: {  	s14 =	simm.s32 $0x1;
	s15 =	simm.s32 $0x18700;
	s16 =	simm.s32 $0x19700  }
0x6: {  	s17 =	simm.s32 $0x1A700;
	s18 =	simm.s32 $0x1B700;
	s19 =	simm.s32 $0x1C700  }
0x7: {  	s22 =	simm.s32 $0x1D800;
	s23 =	simm.s32 $0x1D880;
	s24 =	simm.s32 $0x1D900  }
0x8: {  	s25 =	simm.s32 $0x1D980;
	s26 =	simm.s32 $0x0;
	s4 =	sand.u32 $0x1, s3  }
0x9: {  	[smem:$0x7FF] =	sst s2;
	s29 =	sshll.u32 s5, $0x6;
	s30 =	sshll.u32 s4, $0x5  }
0xa: {  	_ =	strace $0x80000047;
	s31 =	ssub.s32 $0x2, s4;
	s3 =	sor.u32 s30, s29  }
0xb: {  	s4 =	sadd.s32 $0x1000, s0;
	s8 =	sshrl.u32 s31, $0x1;
	s7 =	sshrl.u32 s3, $0x3  }
0xc: {  	s11 =	ssub.s32 s31, s8;
	s0 =	sadd.s32 s7, s0;
	s5 =	sadd.s32 s1, s7  }
0xd: {  	s6 =	sadd.s32 s6, s7;
	s7 =	sadd.s32 $0xC39000, s0;
	s8 =	sadd.s32 $0xC39200, s0  }
0xe: {  	v0 =	vimm.f32 $0.0e+00;
	v1 =	vimm.f32 $1.000000000e+00;
	v2 =	vlaneseq.u32;
	s11 =	smax.u32 s11, $0x1;
	s9 =	sadd.s32 $0xC39400, s0;
	s10 =	sadd.s32 $0xC39600, s0  }
.LBB2_1:
0xf: {  	s28 =	simm.s32 $0x0  }
.LBB2_2:
0x10: {  	s0 =	sor.u32 s3, s28  }
0x11: {  	s0 =	sshrl.u32 s0, $0x3  }
0x12: {  	s1 =	sshll.u32 s28, $0x7;
	s0 =	smul.u32 $0xC3800, s0  }
0x13: {  	s1 =	sand.u32 $0x380, s1  }
0x14: {  	s0 =	sor.u32 s1, s0  }
0x15: {  	s0 =	sshrl.u32 s0, $0x3  }
0x16: {  	s0 =	sadd.s32 s4, s0  }
0x17: {  	[tilespmem:s2], [sflag:$0x1] =	stream.strided.gather [hbm4b:s0+s12], $0x18700, s13, s12, $0x38;
	[tilespmem:$0x1DA00] =	vst v63  }
0x18: {  	_ =	swait.ge [sflag:s14], $0x18700  }
0x19: {  	[sflag:s14] =	ssyncset.done $0x0  }
0x1a: {  	v3 =	vimm.f32 $0.0e+00;
	s0 =	simm.s32 $0x18740;
	[sflag:s14] =	ssyncadd.s32 $0xFFFE7900  }
0x1b: {  	[tilespmem:s0+$0x30] =	vst v3  }
0x1c: {  	[tilespmem:s0+$0xFFFFFFC0] =	vst v3  }
0x1d: {  	[tilespmem:s0+$0xFFFFFFD0] =	vst v3  }
0x1e: {  	[tilespmem:s0+$0xFFFFFFE0] =	vst v3  }
0x1f: {  	[tilespmem:s0+$0xFFFFFFF0] =	vst v3  }
0x20: {  	[tilespmem:s0+$0x0] =	vst v3  }
0x21: {  	[tilespmem:s0+$0x10] =	vst v3  }
0x22: {  	s1 =	simm.s32 $0x19740;
	[tilespmem:s0+$0x20] =	vst v3  }
0x23: {  	[tilespmem:s1+$0x30] =	vst v3  }
0x24: {  	[tilespmem:s1+$0xFFFFFFC0] =	vst v3  }
0x25: {  	[tilespmem:s1+$0xFFFFFFD0] =	vst v3  }
0x26: {  	[tilespmem:s1+$0xFFFFFFE0] =	vst v3  }
0x27: {  	[tilespmem:s1+$0xFFFFFFF0] =	vst v3  }
0x28: {  	[tilespmem:s1+$0x0] =	vst v3  }
0x29: {  	[tilespmem:s1+$0x10] =	vst v3  }
0x2a: {  	s29 =	simm.s32 $0x1A740;
	[tilespmem:s1+$0x20] =	vst v3  }
0x2b: {  	[tilespmem:s29+$0x30] =	vst v3  }
0x2c: {  	[tilespmem:s29+$0xFFFFFFC0] =	vst v3  }
0x2d: {  	[tilespmem:s29+$0xFFFFFFD0] =	vst v3  }
0x2e: {  	[tilespmem:s29+$0xFFFFFFE0] =	vst v3  }
0x2f: {  	[tilespmem:s29+$0xFFFFFFF0] =	vst v3  }
0x30: {  	[tilespmem:s29+$0x0] =	vst v3  }
0x31: {  	[tilespmem:s29+$0x10] =	vst v3  }
0x32: {  	s30 =	simm.s32 $0x1B740;
	[tilespmem:s29+$0x20] =	vst v3  }
0x33: {  	[tilespmem:s30+$0x30] =	vst v3  }
0x34: {  	[tilespmem:s30+$0xFFFFFFC0] =	vst v3  }
0x35: {  	[tilespmem:s30+$0xFFFFFFD0] =	vst v3  }
0x36: {  	[tilespmem:s30+$0xFFFFFFE0] =	vst v3  }
0x37: {  	[tilespmem:s30+$0xFFFFFFF0] =	vst v3  }
0x38: {  	[tilespmem:s30+$0x0] =	vst v3  }
0x39: {  	[tilespmem:s30+$0x10] =	vst v3  }
0x3a: {  	s31 =	simm.s32 $0x1C740;
	[tilespmem:s30+$0x20] =	vst v3  }
0x3b: {  	[tilespmem:s31+$0x30] =	vst v3  }
0x3c: {  	[tilespmem:s31+$0xFFFFFFC0] =	vst v3  }
0x3d: {  	[tilespmem:s31+$0xFFFFFFD0] =	vst v3  }
0x3e: {  	[tilespmem:s31+$0xFFFFFFE0] =	vst v3  }
0x3f: {  	[tilespmem:s31+$0xFFFFFFF0] =	vst v3  }
0x40: {  	[tilespmem:s31+$0x0] =	vst v3  }
0x41: {  	s21 =	simm.s32 $0x0;
	s20 =	simm.s32 $0x20;
	[tilespmem:s31+$0x10] =	vst v3  }
.LBB2_3:
0x42: {  	[tilespmem:s31+$0x20] =	vst v3;
	s0 =	sadd.s32 $0x80, s0  }
0x43: {  	s1 =	sadd.s32 $0x80, s1;
	[tilespmem:s0+$0x30] =	vst v3  }
0x44: {  	s29 =	sadd.s32 $0x80, s29;
	[tilespmem:s1+$0x30] =	vst v3  }
0x45: {  	s30 =	sadd.s32 $0x80, s30;
	[tilespmem:s29+$0x30] =	vst v3  }
0x46: {  	s21 =	sadd.s32 $0x80, s21;
	s31 =	sadd.s32 $0x80, s31;
	[tilespmem:s30+$0x30] =	vst v3  }
0x47: {  	p0 =	slt.u32 s21, $0xF80;
	[tilespmem:s31+$0x30] =	vst v3  }
0x48: {  	[tilespmem:s0+$0xFFFFFFC0] =	vst v3  }
0x49: {  	[tilespmem:s1+$0xFFFFFFC0] =	vst v3  }
0x4a: {  	[tilespmem:s29+$0xFFFFFFC0] =	vst v3  }
0x4b: {  	[tilespmem:s30+$0xFFFFFFC0] =	vst v3  }
0x4c: {  	[tilespmem:s31+$0xFFFFFFC0] =	vst v3  }
0x4d: {  	[tilespmem:s0+$0xFFFFFFD0] =	vst v3  }
0x4e: {  	[tilespmem:s1+$0xFFFFFFD0] =	vst v3  }
0x4f: {  	[tilespmem:s29+$0xFFFFFFD0] =	vst v3  }
0x50: {  	[tilespmem:s30+$0xFFFFFFD0] =	vst v3  }
0x51: {  	[tilespmem:s31+$0xFFFFFFD0] =	vst v3  }
0x52: {  	[tilespmem:s0+$0xFFFFFFE0] =	vst v3  }
0x53: {  	[tilespmem:s1+$0xFFFFFFE0] =	vst v3  }
0x54: {  	[tilespmem:s29+$0xFFFFFFE0] =	vst v3  }
0x55: {  	[tilespmem:s30+$0xFFFFFFE0] =	vst v3  }
0x56: {  	[tilespmem:s31+$0xFFFFFFE0] =	vst v3  }
0x57: {  	[tilespmem:s0+$0xFFFFFFF0] =	vst v3  }
0x58: {  	[tilespmem:s1+$0xFFFFFFF0] =	vst v3  }
0x59: {  	[tilespmem:s29+$0xFFFFFFF0] =	vst v3  }
0x5a: {  	[tilespmem:s30+$0xFFFFFFF0] =	vst v3  }
0x5b: {  	[tilespmem:s31+$0xFFFFFFF0] =	vst v3  }
0x5c: {  	[tilespmem:s0+$0x0] =	vst v3  }
0x5d: {  	[tilespmem:s1+$0x0] =	vst v3  }
0x5e: {  	[tilespmem:s29+$0x0] =	vst v3  }
0x5f: {  	[tilespmem:s30+$0x0] =	vst v3  }
0x60: {  	[tilespmem:s31+$0x0] =	vst v3  }
0x61: {  	[tilespmem:s0+$0x10] =	vst v3  }
0x62: {  	[tilespmem:s1+$0x10] =	vst v3  }
0x63: {  	[tilespmem:s29+$0x10] =	vst v3  }
0x64: {  	[tilespmem:s30+$0x10] =	vst v3  }
.Ltmp0:
0x65: {  	[tilespmem:s31+$0x10] =	vst v3;
	(pc) =	sbr.rel @p0 .LBB2_3-.Ltmp0, $4  }
0x66: {  	[tilespmem:s0+$0x20] =	vst v3  }
0x67: {  	[tilespmem:s1+$0x20] =	vst v3  }
0x68: {  	[tilespmem:s29+$0x20] =	vst v3  }
0x69: {  	[tilespmem:s30+$0x20] =	vst v3  }
0x6a: {  	[tilespmem:s31+$0x20] =	vst v3  }
0x6b: {  	v4 =	vld [tilespmem:s20+$0xFFFFFFF0]  }
0x6c: {  	v5 =	vld [tilespmem:s20+$0xFFFFFFE0];
	_ =	sdelay $0x1  }
0x6d: {  	v6 =	vld [tilespmem:s20+$0x0];
	_ =	sdelay $0x1  }
0x6e: {  	v7 =	vld [tilespmem:s20+$0x10];
	v10 =	vmul.f32 $3.333333250e+00, v4  }
0x6f: {  	v12 =	vmul.f32 $3.333333250e+00, v5  }
0x70: {  	v4 =	vmul.f32 $1.442695020e+00, v10  }
0x71: {  	v5 =	vmul.f32 $3.333333250e+00, v6;
	v6 =	vmul.f32 $1.442695020e+00, v12  }
0x72: {  	v8 =	vsub.f32 $4.800000000e+01, v10;
	(erf) = vpow2.f32 v4  }
0x73: {  	v21 =	vmul.f32 $3.333333250e+00, v7;
	v4 =	vsub.f32 $4.800000000e+01, v5;
	(erf) = vpow2.f32 v6  }
0x74: {  	s0 =	simm.s32 $0x60;
	v6 =	vmul.f32 $4.266666790e+01, v8;
	v8 =	vmul.f32 $1.442695020e+00, v5  }
0x75: {  	v9 =	vld [tilespmem:s0+$0x10];
	v7 =	vmul.f32 $1.442695020e+00, v21;
	v4 =	vmul.f32 $4.266666790e+01, v4  }
0x76: {  	v16 =	vld [tilespmem:s0+$0x0];
	v11 =	vsub.f32 $4.800000000e+01, v21;
	v6 =	vtrunc.f32 v6;
	(erf) = vpow2.f32 v8  }
0x77: {  	v14 =	vld [tilespmem:s0+$0xFFFFFFE0];
	v8 =	vsub.f32 $4.800000000e+01, v12;
	v4 =	vtrunc.f32 v4;
	v6 =	vcvt.f32.s32 v6  }
0x78: {  	v13 =	vld [tilespmem:s0+$0xFFFFFFF0];
	(erf) = vpow2.f32 v7;
	v7 =	vmul.f32 $4.266666790e+01, v11  }
0x79: {  	v15 =	vcvt.f32.s32 v4;
	v17 =	vmul.f32 $4.266666790e+01, v8  }
0x7a: {  	v4 =	vmul.f32 $3.333333250e+00, v9;
	vm0 =	vgt.s32 v6, $0x0;
	v7 =	vtrunc.f32 v7  }
0x7b: {  	v9 =	vmul.f32 $3.333333250e+00, v16;
	v6 =	vnsel vm0, $0x0, v6;
	v23 =	vcvt.f32.s32 v7;
	v18 =	vpop (erf)  }
0x7c: {  	vm14 =	vgt.s32 v15, $0x0;
	v7 =	vmul.f32 $3.333333250e+00, v14;
	v11 =	vmul.f32 $1.442695020e+00, v4;
	v8 =	vpop (erf)  }
0x7d: {  	v20 =	vmin.u32 v6, $0xFFF;
	v6 =	vmul.f32 $3.333333250e+00, v13;
	v13 =	vadd.f32 v8, v3  }
0x7e: {  	v14 =	vtrunc.f32 v17;
	v24 =	vsub.f32 $4.800000000e+01, v9;
	v22 =	vnsel vm14, $0x0, v15  }
0x7f: {  	v17 =	vcvt.f32.s32 v14;
	vm15 =	vgt.s32 v23, $0x0;
	v16 =	vmul.f32 $1.442695020e+00, v6  }
0x80: {  	v14 =	vmin.u32 v22, $0xFFF;
	v3 =	vmul.f32 v8, v12;
	v12 =	vmul.f32 $1.442695020e+00, v7  }
0x81: {  	v25 =	vmul.f32 v18, v10;
	(erf) = vpow2.f32 v16;
	v15 =	vadd.f32 v18, v13;
	v13 =	vpop (erf)  }
0x82: {  	v19 =	vsub.f32 $4.800000000e+01, v6;
	[tilespmem:v20+s15+$0x0] =	vst.idx.add.f32.msk $0xffff, v18;
	v18 =	vmul.f32 $1.442695020e+00, v9;
	(erf) = vpow2.f32 v12;
	v10 =	vpop (erf)  }
0x83: {  	s1 =	simm.s32 $0xA0;
	s0 =	simm.s32 $0x40;
	v16 =	vnsel vm15, $0x0, v23;
	[tilespmem:v20+s16+$0x0] =	vst.idx.add.f32.msk $0xffff, v25;
	v20 =	vmul.f32 $4.266666790e+01, v24;
	v12 =	vmul.f32 v10, v21  }
.LBB2_5:
0x84: {  	s0 =	sadd.s32 $0x40, s0;
	v19 =	vmul.f32 $4.266666790e+01, v19;
	v21 =	vsub.f32 $4.800000000e+01, v4;
	vm0 =	vgt.s32 v17, $0x0;
	s29 =	simm.s32 $0x18670;
	s30 =	simm.s32 $0x18680  }
0x85: {  	v22 =	vld [tilespmem:s1+$0x0];
	p0 =	slt.u32 s0, $0x18640;
	v20 =	vtrunc.f32 v20;
	(erf) = vpow2.f32 v18;
	v17 =	vnsel vm0, $0x0, v17  }
0x86: {  	v15 =	vadd.f32 v13, v15;
	v18 =	vld [tilespmem:s1+$0x10];
	v19 =	vtrunc.f32 v19;
	v17 =	vmin.u32 v17, $0xFFF  }
0x87: {  	v24 =	vmul.f32 v13, v5;
	v16 =	vmin.u32 v16, $0xFFF;
	v5 =	vmovc v9;
	v23 =	vld [tilespmem:s1+$0xFFFFFFF0];
	v19 =	vcvt.f32.s32 v19  }
0x88: {  	v26 =	vsub.f32 $4.800000000e+01, v7;
	v20 =	vcvt.f32.s32 v20;
	v9 =	vld [tilespmem:s1+$0xFFFFFFE0];
	(erf) = vpow2.f32 v11  }
0x89: {  	v15 =	vadd.f32 v10, v15;
	v11 =	vmul.f32 $4.266666790e+01, v21;
	vm0 =	vgt.s32 v19, $0x0  }
0x8a: {  	v21 =	vmul.f32 $4.266666790e+01, v26;
	v19 =	vnsel vm0, $0x0, v19;
	vm0 =	vgt.s32 v20, $0x0;
	v25 =	vpop (erf);
	[tilespmem:v14+s15+$0x0] =	vst.idx.add.f32.msk $0xffff, v13  }
0x8b: {  	v11 =	vtrunc.f32 v11;
	v26 =	vmul.f32 $3.333333250e+00, v18;
	v27 =	vmin.u32 v19, $0xFFF;
	[tilespmem:v17+s15+$0x0] =	vst.idx.add.f32.msk $0xffff, v8;
	v8 =	vpop (erf)  }
0x8c: {  	v18 =	vmul.f32 $3.333333250e+00, v23;
	v23 =	vnsel vm0, $0x0, v20;
	v20 =	vcvt.f32.s32 v11;
	[tilespmem:v14+s16+$0x0] =	vst.idx.add.f32.msk $0xffff, v24  }
0x8d: {  	v15 =	vadd.f32 v8, v15;
	v14 =	vmul.f32 $3.333333250e+00, v9;
	v11 =	vmul.f32 $1.442695020e+00, v26;
	[tilespmem:v17+s16+$0x0] =	vst.idx.add.f32.msk $0xffff, v3  }
0x8e: {  	v9 =	vmul.f32 $3.333333250e+00, v22;
	v17 =	vtrunc.f32 v21;
	vm0 =	vgt.s32 v20, $0x0;
	v13 =	vpop (erf);
	[tilespmem:v16+s15+$0x0] =	vst.idx.add.f32.msk $0xffff, v10  }
.Ltmp1:
0x8f: {  	v3 =	vmul.f32 v8, v7;
	v21 =	vmul.f32 $1.442695020e+00, v18;
	v15 =	vadd.f32 v25, v15;
	[tilespmem:v16+s16+$0x0] =	vst.idx.add.f32.msk $0xffff, v12;
	(pc) =	sbr.rel @p0 .LBB2_5-.Ltmp1, $4  }
0x90: {  	v22 =	vmul.f32 $1.442695020e+00, v14;
	v12 =	vsub.f32 $4.800000000e+01, v9;
	v16 =	vmul.f32 v25, v6;
	v6 =	vmovc v18;
	[tilespmem:v27+s15+$0x0] =	vst.idx.add.f32.msk $0xffff, v25  }
0x91: {  	v17 =	vcvt.f32.s32 v17;
	v19 =	vsub.f32 $4.800000000e+01, v6;
	(erf) = vpow2.f32 v21;
	v10 =	vpop (erf)  }
0x92: {  	v18 =	vmul.f32 $1.442695020e+00, v9;
	v7 =	vmovc v14;
	(erf) = vpow2.f32 v22;
	[tilespmem:v27+s16+$0x0] =	vst.idx.add.f32.msk $0xffff, v16;
	v16 =	vnsel vm0, $0x0, v20  }
0x93: {  	s1 =	sadd.s32 $0x40, s1;
	v14 =	vmin.u32 v23, $0xFFF;
	v20 =	vmul.f32 $4.266666790e+01, v12;
	v12 =	vmul.f32 v10, v4;
	v4 =	vmovc v26  }
0x94: {  	v19 =	vmul.f32 $4.266666790e+01, v19;
	vm0 =	vgt.s32 v17, $0x0  }
0x95: {  	v21 =	vsub.f32 $4.800000000e+01, v7;
	(erf) = vpow2.f32 v18;
	v50 =	vsub.f32 $4.800000000e+01, v4  }
0x96: {  	v20 =	vtrunc.f32 v20;
	v17 =	vnsel vm0, $0x0, v17;
	v49 =	vtrunc.f32 v19  }
0x97: {  	v17 =	vmin.u32 v17, $0xFFF;
	v21 =	vmul.f32 $4.266666790e+01, v21;
	v18 =	vcvt.f32.s32 v49  }
0x98: {  	v5 =	vmul.f32 v13, v5;
	v16 =	vmin.u32 v16, $0xFFF;
	v20 =	vcvt.f32.s32 v20  }
0x99: {  	v19 =	vmul.f32 $4.266666790e+01, v50;
	v21 =	vtrunc.f32 v21;
	vm12 =	vgt.s32 v18, $0x0  }
0x9a: {  	[tilespmem:v14+s15+$0x0] =	vst.idx.add.f32.msk $0xffff, v13;
	(erf) = vpow2.f32 v11;
	v51 =	vcvt.f32.s32 v21;
	v18 =	vnsel vm12, $0x0, v18  }
0x9b: {  	[tilespmem:v14+s16+$0x0] =	vst.idx.add.f32.msk $0xffff, v5;
	vm13 =	vgt.s32 v20, $0x0;
	v53 =	vtrunc.f32 v19;
	v52 =	vmin.u32 v18, $0xFFF  }
0x9c: {  	v54 =	vnsel vm13, $0x0, v20;
	v5 =	vcvt.f32.s32 v53;
	[tilespmem:v17+s15+$0x0] =	vst.idx.add.f32.msk $0xffff, v8;
	vm14 =	vgt.s32 v51, $0x0  }
0x9d: {  	v15 =	vadd.f32 v13, v15;
	[tilespmem:v17+s16+$0x0] =	vst.idx.add.f32.msk $0xffff, v3;
	v3 =	vmin.u32 v54, $0xFFF;
	v55 =	vnsel vm14, $0x0, v51  }
0x9e: {  	[tilespmem:v16+s15+$0x0] =	vst.idx.add.f32.msk $0xffff, v10;
	v56 =	vpop (erf);
	vm15 =	vgt.s32 v5, $0x0;
	v8 =	vmin.u32 v55, $0xFFF  }
0x9f: {  	v57 =	vadd.f32 v10, v15;
	[tilespmem:v16+s16+$0x0] =	vst.idx.add.f32.msk $0xffff, v12;
	v6 =	vmul.f32 v56, v6;
	v5 =	vnsel vm15, $0x0, v5  }
0xa0: {  	v58 =	vpop (erf);
	v5 =	vmin.u32 v5, $0xFFF;
	[tilespmem:v52+s15+$0x0] =	vst.idx.add.f32.msk $0xffff, v56  }
0xa1: {  	v10 =	vadd.f32 v58, v57;
	v59 =	vpop (erf);
	[tilespmem:v52+s16+$0x0] =	vst.idx.add.f32.msk $0xffff, v6  }
0xa2: {  	v60 =	vmul.f32 v59, v9;
	[tilespmem:v3+s15+$0x0] =	vst.idx.add.f32.msk $0xffff, v59  }
0xa3: {  	v62 =	vadd.f32 v56, v10;
	[tilespmem:v8+s15+$0x0] =	vst.idx.add.f32.msk $0xffff, v58  }
0xa4: {  	v61 =	vmul.f32 v58, v7;
	v63 =	vpop (erf);
	[tilespmem:v3+s16+$0x0] =	vst.idx.add.f32.msk $0xffff, v60  }
0xa5: {  	v4 =	vmul.f32 v63, v4;
	v3 =	vadd.f32 v59, v62;
	[tilespmem:v5+s15+$0x0] =	vst.idx.add.f32.msk $0xffff, v63  }
0xa6: {  	[tilespmem:v8+s16+$0x0] =	vst.idx.add.f32.msk $0xffff, v61  }
0xa7: {  	[tilespmem:v5+s16+$0x0] =	vst.idx.add.f32.msk $0xffff, v4;
	v3 =	vadd.f32 v63, v3  }
.LBB2_7:
0xa8: {  	v4 =	vld [tilespmem:s30+$0x0];
	_ =	sdelay $0x4  }
0xa9: {  	v4 =	vmul.f32 $3.333333250e+00, v4;
	_ =	sdelay $0x1  }
0xaa: {  	v5 =	vsub.f32 $4.800000000e+01, v4  }
0xab: {  	v6 =	vmul.f32 $1.442695020e+00, v4  }
0xac: {  	v5 =	vmul.f32 $4.266666790e+01, v5  }
0xad: {  	(erf) = vpow2.f32 v6  }
0xae: {  	v5 =	vtrunc.f32 v5  }
0xaf: {  	v5 =	vcvt.f32.s32 v5;
	_ =	sdelay $0x1  }
0xb0: {  	vm0 =	vgt.s32 v5, $0x0  }
0xb1: {  	v5 =	vnsel vm0, $0x0, v5  }
0xb2: {  	s29 =	sadd.s32 $0x10, s29;
	v5 =	vmin.u32 v5, $0xFFF  }
0xb3: {  	p0 =	slt.u32 s29, $0x18690  }
.Ltmp2:
0xb4: {  	_ = 	snop;
	(pc) =	sbr.rel @p0 .LBB2_7-.Ltmp2, $4  }
0xb5: {  	v6 =	vpop (erf)  }
0xb6: {  	v4 =	vmul.f32 v6, v4  }
0xb7: {  	[tilespmem:v5+s15+$0x0] =	vst.idx.add.f32.msk $0xffff, v6  }
0xb8: {  	s30 =	sadd.s32 $0x10, s30;
	v3 =	vadd.f32 v6, v3;
	[tilespmem:v5+s16+$0x0] =	vst.idx.add.f32.msk $0xffff, v4  }
0xb9: {  	s0 =	simm.s32 $0x18710  }
0xba: {  	v13 =	vld [tilespmem:s0+$0xFFFFFFF0]  }
0xbb: {  	v10 =	vld [tilespmem:s0+$0x0]  }
0xbc: {  	(xrf2) =	vadd.scan.msk.f32 $0xffff, v3;
	_ =	sdelay $0x2  }
0xbd: {  	(xrf2) =	vadd.scan.msk.f32 $0xffff, v13  }
0xbe: {  	(xrf2) =	vadd.scan.msk.f32 $0xffff, v10  }
0xbf: {  	s20 =	simm.s32 $0x18730  }
0xc0: {  	v7 =	vld [tilespmem:s20+$0xFFFFFFF0];
	_ =	sdelay $0x3  }
0xc1: {  	v5 =	vld [tilespmem:s20+$0x0];
	v3, _, _ =	vpop (xrf2)  }
0xc2: {  	(xrf2) =	vadd.scan.msk.f32 $0xffff, v7;
	(v2sf) =	vpush v3, $0xF  }
0xc3: {  	s21 =	simm.s32 $0x18750  }
0xc4: {  	v4 =	vld [tilespmem:s21+$0xFFFFFFF0];
	v3, _, _ =	vpop (xrf2)  }
0xc5: {  	v12 =	vld [tilespmem:s21+$0x0];
	(v2sf) =	vpush v3, $0xF;
	v14, _, _ =	vpop (xrf2)  }
0xc6: {  	(xrf2) =	vadd.scan.msk.f32 $0xffff, v5;
	(v2sf) =	vpush v14, $0xF;
	_ =	sdelay $0x2  }
0xc7: {  	(xrf2) =	vadd.scan.msk.f32 $0xffff, v4  }
0xc8: {  	(xrf2) =	vadd.scan.msk.f32 $0xffff, v12;
	_ =	sdelay $0x1  }
0xc9: {  	s31 =	simm.s32 $0x18770;
	v16, _, _ =	vpop (xrf2)  }
0xca: {  	v6 =	vld [tilespmem:s31+$0xFFFFFFF0];
	(v2sf) =	vpush v16, $0xF;
	_ =	sdelay $0x2  }
0xcb: {  	v8 =	vld [tilespmem:s31+$0x0];
	v21, _, _ =	vpop (xrf2)  }
0xcc: {  	s20 =	spop (v2sf);
	(v2sf) =	vpush v21, $0xF  }
0xcd: {  	(xrf2) =	vadd.scan.msk.f32 $0xffff, v6  }
0xce: {  	s1 =	simm.f32 $0.0e+00;
	s21 =	simm.s32 $0x19710;
	v19, _, _ =	vpop (xrf2)  }
0xcf: {  	s0 =	simm.s32 $0x18790;
	v15 =	vld [tilespmem:s21+$0xFFFFFFF0];
	v3 =	vadd.f32 s1, v3;
	v18, _, _ =	vpop (xrf2);
	s29 =	smul.f32 $9.499999880e-01, s20;
	s31 =	spop (v2sf);
	(v2sf) =	vpush v19, $0xF  }
0xd0: {  	v9 =	vld [tilespmem:s0+$0xFFFFFFF0];
	(xrf2) =	vadd.scan.msk.f32 $0xffff, v8;
	s20 =	sadd.f32 s31, s1;
	s31 =	spop (v2sf);
	(v2sf) =	vpush v18, $0xF  }
0xd1: {  	v11 =	vsub.f32 v3, v13  }
0xd2: {  	v3 =	vmov s29  }
0xd3: {  	v17 =	vimm.f32 $0.0e+00;
	vm0 =	vle.f32 v11, v3;
	v11 =	vld [tilespmem:s0+$0x0]  }
0xd4: {  	v20 =	vsel vm0, $0x3F800000, v0;
	v23 =	vnsel vm0, $0x0, v15;
	v15 =	vld [tilespmem:s21+$0x0];
	s1 =	sadd.f32 s31, s20;
	v14 =	vadd.f32 s20, v14  }
0xd5: {  	(xrf2) =	vadd.scan.msk.f32 $0xffff, v9;
	v25 =	vnsel vm0, $0x0, v13;
	v13 =	vadd.f32 v23, v17  }
0xd6: {  	s30 =	simm.s32 $0x19730;
	v23 =	vadd.f32 s1, v16;
	v24 =	vsub.f32 v14, v10  }
0xd7: {  	s0 =	simm.s32 $0x187B0;
	v22 =	vadd.f32 v20, v17;
	v17 =	vadd.f32 v25, v17;
	s21 =	spop (v2sf);
	s20 =	simm.s32 $0xA0;
	v20, _, _ =	vpop (xrf2);
	v16 =	vld [tilespmem:s30+$0xFFFFFFF0]  }
.LBB2_9:
0xd8: {  	s20 =	sadd.s32 $0x20, s20;
	v14 =	vld [tilespmem:s0+$0xFFFFFFF0];
	(xrf2) =	vadd.scan.msk.f32 $0xffff, v11;
	(v2sf) =	vpush v20, $0xF;
	v23 =	vsub.f32 v23, v7;
	vm0 =	vle.f32 v24, v3  }
0xd9: {  	p0 =	slt.u32 s20, $0xFE0;
	v24 =	vsel vm0, $0x3F800000, v0;
	v25 =	vnsel vm0, $0x0, v10;
	v15 =	vnsel vm0, $0x0, v15;
	v10 =	vmovc v5;
	v5 =	vmovc v12  }
0xda: {  	s1 =	sadd.f32 s21, s1;
	v26 =	vld [tilespmem:s0+$0x0];
	v27, _, _ =	vpop (xrf2);
	vm0 =	vle.f32 v23, v3;
	v22 =	vadd.f32 v24, v22;
	v17 =	vadd.f32 v25, v17  }
.Ltmp3:
0xdb: {  	v13 =	vadd.f32 v15, v13;
	v23 =	vsel vm0, $0x3F800000, v0;
	v25 =	vnsel vm0, $0x0, v7;
	s21 =	spop (v2sf);
	v7 =	vmovc v4;
	v4 =	vmovc v6;
	(pc) =	sbr.rel @p0 .LBB2_9-.Ltmp3, $4  }
0xdc: {  	v12 =	vmovc v8;
	v28 =	vadd.f32 s1, v21;
	v6 =	vmovc v9;
	(v2sf) =	vpush v27, $0xF;
	v16 =	vnsel vm0, $0x0, v16;
	v15 =	vld [tilespmem:s30+$0x0];
	s1 =	sadd.f32 s21, s1  }
0xdd: {  	v8 =	vmovc v11;
	v22 =	vadd.f32 v23, v22;
	(xrf2) =	vadd.scan.msk.f32 $0xffff, v14;
	v13 =	vadd.f32 v16, v13;
	v9 =	vmov v14  }
0xde: {  	v21 =	vmovc v18;
	v18 =	vmovc v27;
	v24 =	vsub.f32 v28, v10;
	s30 =	sadd.s32 $0x20, s30;
	v23 =	vadd.f32 s1, v19;
	v19 =	vmov v20  }
0xdf: {  	s0 =	sadd.s32 $0x20, s0;
	v17 =	vadd.f32 v25, v17;
	v20, _, _ =	vpop (xrf2);
	v16 =	vld [tilespmem:s30+$0xFFFFFFF0];
	s21 =	spop (v2sf);
	v11 =	vmov v26  }
0xe0: {  	v14 =	vld [tilespmem:s0+$0xFFFFFFF0];
	_ =	sdelay $0x2  }
0xe1: {  	(xrf2) =	vadd.scan.msk.f32 $0xffff, v11;
	_ =	sdelay $0x1  }
0xe2: {  	(xrf2) =	vadd.scan.msk.f32 $0xffff, v14;
	_ =	sdelay $0x1  }
0xe3: {  	(v2sf) =	vpush v20, $0xF  }
0xe4: {  	v25, _, _ =	vpop (xrf2)  }
0xe5: {  	(v2sf) =	vpush v25, $0xF;
	_ =	sdelay $0x1  }
0xe6: {  	v26, _, _ =	vpop (xrf2)  }
0xe7: {  	(v2sf) =	vpush v26, $0xF  }
0xe8: {  	v27, _, _ =	vpop (xrf2)  }
0xe9: {  	s1 =	sadd.f32 s21, s1;
	(v2sf) =	vpush v27, $0xF  }
0xea: {  	v23 =	vsub.f32 v23, v7;
	vm0 =	vle.f32 v24, v3;
	s20 =	spop (v2sf);
	v24, _, _ =	vpop (xrf2)  }
0xeb: {  	v28 =	vsel vm0, $0x3F800000, v0;
	v21 =	vadd.f32 s1, v21;
	s1 =	sadd.f32 s20, s1;
	(v2sf) =	vpush v24, $0xF  }
0xec: {  	vm1 =	vle.f32 v23, v3;
	v22 =	vadd.f32 v28, v22;
	s21 =	spop (v2sf)  }
0xed: {  	v23 =	vld [tilespmem:s0+$0x0];
	v28 =	vsel vm1, $0x3F800000, v0;
	v19 =	vadd.f32 s1, v19;
	v21 =	vsub.f32 v21, v5;
	s1 =	sadd.f32 s21, s1  }
0xee: {  	v22 =	vadd.f32 v28, v22  }
0xef: {  	v19 =	vsub.f32 v19, v4;
	vm3 =	vle.f32 v21, v3;
	v18 =	vadd.f32 s1, v18;
	s20 =	spop (v2sf)  }
0xf0: {  	v21 =	vsel vm3, $0x3F800000, v0;
	s0 =	sadd.f32 s20, s1  }
0xf1: {  	vm4 =	vle.f32 v19, v3;
	v19 =	vadd.f32 v21, v22;
	v18 =	vsub.f32 v18, v12;
	s21 =	spop (v2sf)  }
0xf2: {  	(xrf2) =	vadd.scan.msk.f32 $0xffff, v23;
	v21 =	vsel vm4, $0x3F800000, v0;
	v20 =	vadd.f32 s0, v20;
	s0 =	sadd.f32 s21, s0  }
0xf3: {  	v19 =	vadd.f32 v21, v19;
	vm6 =	vle.f32 v18, v3;
	s20 =	spop (v2sf)  }
0xf4: {  	v18 =	vsub.f32 v20, v6;
	v20 =	vsel vm6, $0x3F800000, v0;
	v21 =	vadd.f32 s0, v25;
	s0 =	sadd.f32 s20, s0  }
0xf5: {  	v19 =	vadd.f32 v20, v19  }
0xf6: {  	vm9 =	vle.f32 v18, v3;
	v20 =	vsub.f32 v21, v8;
	v18 =	vadd.f32 s0, v26;
	s21 =	spop (v2sf)  }
0xf7: {  	v21 =	vsel vm9, $0x3F800000, v0;
	s0 =	sadd.f32 s21, s0  }
0xf8: {  	v19 =	vadd.f32 v21, v19;
	vm8 =	vle.f32 v20, v3;
	v18 =	vsub.f32 v18, v9;
	s20 =	spop (v2sf)  }
0xf9: {  	v20 =	vsel vm8, $0x3F800000, v0;
	v21 =	vadd.f32 s0, v27;
	s0 =	sadd.f32 s20, s0  }
0xfa: {  	vm7 =	vle.f32 v18, v3;
	v18 =	vadd.f32 v20, v19;
	s21 =	spop (v2sf)  }
0xfb: {  	v19 =	vsel vm7, $0x3F800000, v0;
	v21 =	vsub.f32 v21, v11;
	v20 =	vadd.f32 s0, v24;
	s0 =	sadd.f32 s21, s0  }
0xfc: {  	v22, _, _ =	vpop (xrf2);
	v18 =	vadd.f32 v19, v18  }
0xfd: {  	vm10 =	vle.f32 v21, v3;
	v19 =	vsub.f32 v20, v14;
	v20 =	vadd.f32 s0, v22  }
0xfe: {  	v21 =	vsel vm10, $0x3F800000, v0  }
0xff: {  	v18 =	vadd.f32 v21, v18;
	vm5 =	vle.f32 v19, v3;
	v19 =	vsub.f32 v20, v23  }
0x100: {  	v20 =	vsel vm5, $0x3F800000, v0  }
0x101: {  	v18 =	vadd.f32 v20, v18;
	vm2 =	vle.f32 v19, v3  }
0x102: {  	v19 =	vsel vm2, $0x3F800000, v0  }
0x103: {  	v18 =	vadd.f32 v19, v18;
	_ =	sdelay $0x1  }
0x104: {  	(xrf2) =	vadd.scan.msk.f32 $0xffff, v18;
	_ =	sdelay $0x2  }
0x105: {  	v18 =	vld [tilespmem:s30+$0x0]  }
0x106: {  	v15 =	vnsel vm0, $0x0, v15;
	s20 =	sadd.s32 $0x20, s30  }
0x107: {  	v10 =	vnsel vm0, $0x0, v10;
	v13 =	vadd.f32 v15, v13;
	v15 =	vld [tilespmem:s20+$0xFFFFFFF0]  }
0x108: {  	v10 =	vadd.f32 v10, v17;
	v16 =	vnsel vm1, $0x0, v16  }
0x109: {  	v7 =	vnsel vm1, $0x0, v7;
	v13 =	vadd.f32 v16, v13;
	v16 =	vld [tilespmem:s20+$0x0]  }
0x10a: {  	v7 =	vadd.f32 v7, v10;
	s0 =	sadd.s32 $0x20, s20;
	v10 =	vnsel vm3, $0x0, v18  }
0x10b: {  	v5 =	vnsel vm3, $0x0, v5;
	v10 =	vadd.f32 v10, v13;
	v13 =	vld [tilespmem:s0+$0xFFFFFFF0]  }
0x10c: {  	v5 =	vadd.f32 v5, v7;
	(v2sf) =	vpush v22, $0xF;
	v7 =	vnsel vm4, $0x0, v15;
	v19, _, _ =	vpop (xrf2)  }
0x10d: {  	v4 =	vnsel vm4, $0x0, v4;
	v7 =	vadd.f32 v7, v10;
	v10 =	vld [tilespmem:s0+$0x0];
	(v2sf) =	vpush v19, $0xF  }
0x10e: {  	v4 =	vadd.f32 v4, v5;
	v5 =	vnsel vm6, $0x0, v16;
	s0 =	sadd.s32 $0x20, s0  }
0x10f: {  	v12 =	vnsel vm6, $0x0, v12;
	v5 =	vadd.f32 v5, v7;
	v7 =	vld [tilespmem:s0+$0xFFFFFFF0]  }
0x110: {  	v4 =	vadd.f32 v12, v4;
	v12 =	vnsel vm9, $0x0, v13  }
0x111: {  	v6 =	vnsel vm9, $0x0, v6;
	v5 =	vadd.f32 v12, v5;
	v12 =	vld [tilespmem:s0+$0x0]  }
0x112: {  	v4 =	vadd.f32 v6, v4;
	s0 =	sadd.s32 $0x20, s0;
	v6 =	vnsel vm8, $0x0, v10  }
0x113: {  	v8 =	vnsel vm8, $0x0, v8;
	s21 =	simm.s32 $0x20;
	v10 =	vld [tilespmem:s0+$0xFFFFFFF0];
	v5 =	vadd.f32 v6, v5  }
0x114: {  	v4 =	vadd.f32 v8, v4;
	v8 =	vld [tilespmem:s21+$0xFFFFFFF0];
	v7 =	vnsel vm7, $0x0, v7  }
0x115: {  	v9 =	vnsel vm7, $0x0, v9;
	v6 =	vld [tilespmem:s21+$0x10];
	v5 =	vadd.f32 v7, v5  }
0x116: {  	v4 =	vadd.f32 v9, v4;
	v9 =	vnsel vm10, $0x0, v12  }
0x117: {  	v7 =	vld [tilespmem:s0+$0x0];
	v5 =	vadd.f32 v9, v5  }
0x118: {  	v12 =	vld [tilespmem:s21+$0xFFFFFFE0];
	v9 =	vnsel vm5, $0x0, v10  }
0x119: {  	v11 =	vnsel vm10, $0x0, v11;
	v5 =	vadd.f32 v9, v5;
	v9 =	vmul.f32 $3.333333250e+00, v8  }
0x11a: {  	v4 =	vadd.f32 v11, v4;
	v20 =	vmul.f32 $3.333333250e+00, v6  }
0x11b: {  	s20 =	spop (v2sf);
	v6 =	vnsel vm5, $0x0, v14;
	v11 =	vsub.f32 $4.800000000e+01, v9  }
0x11c: {  	v15 =	vld [tilespmem:s21+$0x0];
	v4 =	vadd.f32 v6, v4;
	v6 =	vnsel vm2, $0x0, v23;
	v8 =	vsub.f32 $4.800000000e+01, v20;
	s0 =	spop (v2sf)  }
0x11d: {  	v10 =	vnsel vm2, $0x0, v7;
	v12 =	vmul.f32 $3.333333250e+00, v12;
	v11 =	vmul.f32 $4.266666790e+01, v11;
	s0 =	scvt.f32.s32 s0  }
0x11e: {  	v17 =	vmul.f32 $1.442695020e+00, v20;
	v6 =	vadd.f32 v6, v4;
	v14 =	vmul.f32 $4.266666790e+01, v8  }
0x11f: {  	v4 =	vadd.f32 v10, v5;
	v8 =	vmul.f32 $1.442695020e+00, v12;
	v5 =	vtrunc.f32 v11;
	s30 =	sadd.s32 $0xFFFFFFFF, s0  }
0x120: {  	v13 =	vmul.f32 $1.442695020e+00, v9;
	v16 =	vsub.f32 $4.800000000e+01, v12;
	v5 =	vcvt.f32.s32 v5;
	s0 =	scvt.s32.f32 s30  }
0x121: {  	v10 =	vmul.f32 $3.333333250e+00, v15;
	(erf) = vpow2.f32 v8  }
0x122: {  	v16 =	vmul.f32 $4.266666790e+01, v16;
	vm0 =	vgt.s32 v5, $0x0;
	v7 =	vmov s0  }
0x123: {  	v8 =	vmov s30;
	v18 =	vsub.f32 v14, v7;
	v11 =	vsub.f32 v11, v7  }
0x124: {  	v14 =	vtrunc.f32 v14;
	v19 =	vsub.f32 v16, v7;
	v16 =	vtrunc.f32 v16  }
0x125: {  	v5 =	vnsel vm0, $0x0, v5;
	v16 =	vcvt.f32.s32 v16;
	v18 =	vmul.f32 $4.096000000e+03, v18  }
0x126: {  	v5 =	vmin.u32 v5, $0xFFF;
	v14 =	vcvt.f32.s32 v14;
	v11 =	vmul.f32 $4.096000000e+03, v11  }
0x127: {  	vm4 =	veq.s32 v5, v8;
	v15 =	vtrunc.f32 v18;
	v18 =	vmul.f32 $4.096000000e+03, v19  }
0x128: {  	vm3 =	vgt.s32 v14, $0x0;
	v11 =	vtrunc.f32 v11;
	v15 =	vcvt.f32.s32 v15  }
0x129: {  	v19 =	vsub.f32 $4.800000000e+01, v10;
	v14 =	vnsel vm3, $0x0, v14;
	v11 =	vcvt.f32.s32 v11  }
0x12a: {  	v36 =	vmin.u32 v14, $0xFFF;
	v18 =	vtrunc.f32 v18;
	vm0 =	vgt.s32 v15, $0x0  }
0x12b: {  	s21 =	simm.s32 $0x60;
	v27 =	vcvt.f32.s32 v18;
	v22 =	vnsel vm0, $0x0, v15;
	vm0 =	vgt.s32 v16, $0x0  }
0x12c: {  	v23 =	vld [tilespmem:s21+$0x10];
	v19 =	vmul.f32 $4.266666790e+01, v19;
	v21 =	vnsel vm0, $0x0, v16;
	vm0 =	vgt.s32 v11, $0x0  }
0x12d: {  	v16 =	vpop (erf);
	(erf) = vpow2.f32 v13;
	v13 =	vmul.f32 $1.442695020e+00, v10;
	vm15 =	vgt.s32 v27, $0x0  }
0x12e: {  	v15 =	vmul.f32 v16, v12;
	v12 =	vsub.f32 v19, v7;
	v19 =	vtrunc.f32 v19  }
0x12f: {  	v18 =	vmin.u32 v21, $0xFFF;
	v21 =	vld [tilespmem:s21+$0xFFFFFFF0];
	v11 =	vnsel vm0, $0x0, v11;
	v19 =	vcvt.f32.s32 v19  }
0x130: {  	vm0 =	veq.s32 v18, v8;
	v18 =	vld [tilespmem:s21+$0xFFFFFFE0];
	(erf) = vpow2.f32 v13;
	v24 =	vmul.f32 $4.096000000e+03, v12  }
0x131: {  	v13 =	vmul.f32 $3.333333250e+00, v23;
	v12 =	vmin.u32 v11, $0xFFF;
	(erf) = vpow2.f32 v17  }
0x132: {  	v17 =	vmin.u32 v22, $0xFFF;
	v22 =	vld [tilespmem:s21+$0x0];
	vm1 =	vgt.s32 v19, $0x0;
	v11 =	vtrunc.f32 v24  }
0x133: {  	v63 =	vnsel vm15, $0x0, v27;
	v5 =	vnsel vm1, $0x0, v19;
	v19 =	vcvt.f32.s32 v11  }
0x134: {  	v24 =	vsub.f32 $4.800000000e+01, v13;
	v11 =	vmul.f32 $3.333333250e+00, v21;
	v5 =	vmin.u32 v5, $0xFFF  }
0x135: {  	vm2 =	veq.s32 v5, v8;
	v30 =	vmul.f32 $3.333333250e+00, v18;
	vm1 =	vgt.s32 v19, $0x0  }
0x136: {  	v21 =	vmul.f32 $1.442695020e+00, v11;
	v5 =	vsub.f32 $4.800000000e+01, v11;
	v23 =	vnsel vm1, $0x0, v19  }
0x137: {  	v22 =	vmul.f32 $3.333333250e+00, v22;
	v18 =	vmin.u32 v23, $0xFFF;
	v23 =	vmul.f32 $4.266666790e+01, v24  }
0x138: {  	v19 =	vmul.f32 $1.442695020e+00, v13;
	v25 =	vsub.f32 $4.800000000e+01, v30;
	v24 =	vmul.f32 $1.442695020e+00, v30  }
0x139: {  	v5 =	vmul.f32 $4.266666790e+01, v5;
	v28 =	vtrunc.f32 v23;
	v23 =	vsub.f32 v23, v7  }
0x13a: {  	s1 =	sand.u32 $0xF, s30;
	vm0 =	vmmov vm0;
	v25 =	vmul.f32 $4.266666790e+01, v25;
	(erf) = vpow2.f32 v24  }
0x13b: {  	s20 =	sshra.s32 s30, $0x1F;
	p0 =	slt.s32 s30, $0x1;
	p1 =	sne.s32 s1, $0x0;
	v26 =	vsub.f32 v5, v7;
	v5 =	vtrunc.f32 v5;
	v23 =	vmul.f32 $4.096000000e+03, v23  }
0x13c: {  	p0 =	por !p0, !p1;
	s21 =	sshrl.u32 s20, $0x1C;
	vm1 =	vmmov vm4;
	v32 =	vsub.f32 $4.800000000e+01, v22;
	v5 =	vcvt.f32.s32 v5  }
0x13d: {  	s1 =	simm.s32 $0x1;
	p0 =	por !p0, !p0;
	s0 =	sadd.s32 s21, s30;
	v24 =	vtrunc.f32 v25;
	v25 =	vsub.f32 v25, v7;
	v23 =	vtrunc.f32 v23  }
0x13e: {  	s1 =	simm.s32 @!p0 $0x0;
	s0 =	sshrl.u32 s0, $0x4;
	v35 =	vmul.f32 $4.096000000e+03, v26;
	v24 =	vcvt.f32.s32 v24;
	vm3 =	vgt.s32 v5, $0x0  }
0x13f: {  	s0 =	ssub.s32 s0, s1;
	v33 =	vmul.f32 $4.266666790e+01, v32;
	v25 =	vmul.f32 $4.096000000e+03, v25;
	v5 =	vnsel vm3, $0x0, v5  }
0x140: {  	s31 =	sshll.u32 s0, $0x4;
	vm5 =	vgt.s32 v24, $0x0;
	v35 =	vtrunc.f32 v35;
	v31 =	vcvt.f32.s32 v23;
	v23 =	vpop (erf)  }
0x141: {  	v14 =	vld [tilespmem:s31+$0x18700];
	v26 =	vmin.u32 v5, $0xFFF;
	v37 =	vtrunc.f32 v25;
	v34 =	vnsel vm5, $0x0, v24;
	v29 =	vpop (erf)  }
0x142: {  	v5 =	vld [tilespmem:s31+$0x19700];
	v24 =	vcvt.f32.s32 v28;
	v35 =	vcvt.f32.s32 v35;
	vm3 =	vgt.s32 v31, $0x0;
	v32 =	vpop (erf)  }
0x143: {  	v25 =	vnsel vm3, $0x0, v31;
	vm3 =	veq.s32 v36, v8;
	[tilespmem:v12+s17+$0x0] =	vst.idx.add.f32.msk vm4, v23;
	v31 =	vmul.f32 v32, v20;
	v28 =	vpop (erf)  }
0x144: {  	s1 =	simm.s32 $0xA0;
	s0 =	simm.s32 $0x40;
	[tilespmem:v18+s17+$0x0] =	vst.idx.add.f32.msk vm2, v29;
	v20 =	vcvt.f32.s32 v37;
	v27 =	vmul.f32 v28, v30;
	v30 =	vmin.u32 v63, $0xFFF  }
.LBB2_11:
0x145: {  	v34 =	vmin.u32 v34, $0xFFF  }
0x146: {  	v36 =	vld [tilespmem:s1+$0x10];
	s0 =	sadd.s32 $0x40, s0;
	v37 =	vtrunc.f32 v33;
	v33 =	vsub.f32 v33, v7;
	vm6 =	vmmov vm2  }
0x147: {  	v38 =	vld [tilespmem:s1+$0xFFFFFFF0];
	p0 =	slt.u32 s0, $0x18640;
	vm4 =	veq.s32 v34, v8;
	vm2 =	vgt.s32 v35, $0x0;
	(erf) = vpow2.f32 v21  }
0x148: {  	v34 =	vld [tilespmem:s1+$0xFFFFFFE0];
	v21 =	vnsel vm2, $0x0, v35;
	v35 =	vcvt.f32.s32 v37;
	v33 =	vmul.f32 $4.096000000e+03, v33  }
0x149: {  	v29 =	vmul.f32 v29, v10;
	v10 =	vmovc v22;
	v37 =	vmin.u32 v21, $0xFFF;
	v21 =	vmul.f32 $1.442695020e+00, v22;
	[tilespmem:v17+s17+$0x0] =	vst.idx.add.f32.msk vm3, v32  }
0x14a: {  	v32 =	vmul.f32 v23, v9;
	v9 =	vmovc v11;
	vm2 =	vgt.s32 v35, $0x0;
	v22 =	vtrunc.f32 v33;
	[tilespmem:v30+s17+$0x0] =	vst.idx.add.f32.msk vm0, v16  }
0x14b: {  	vm5 =	veq.s32 v26, v8;
	v16 =	vmovc v28;
	v23 =	vnsel vm2, $0x0, v35;
	v22 =	vcvt.f32.s32 v22;
	[tilespmem:v30+s18+$0x0] =	vst.idx.add.f32.msk vm0, v15  }
0x14c: {  	v15 =	vmovc v27;
	v11 =	vmul.f32 $3.333333250e+00, v38;
	v23 =	vmin.u32 v23, $0xFFF;
	(erf) = vpow2.f32 v21;
	[tilespmem:v17+s18+$0x0] =	vst.idx.add.f32.msk vm3, v31  }
0x14d: {  	v27 =	vmul.f32 $3.333333250e+00, v36;
	vm2 =	veq.s32 v23, v8;
	vm7 =	vgt.s32 v22, $0x0;
	[tilespmem:v18+s18+$0x0] =	vst.idx.add.f32.msk vm6, v29  }
0x14e: {  	v21 =	vmul.f32 $1.442695020e+00, v11;
	v31 =	vsub.f32 $4.800000000e+01, v11;
	v26 =	vld [tilespmem:s1+$0x0];
	v22 =	vnsel vm7, $0x0, v22  }
0x14f: {  	v28 =	vsub.f32 $4.800000000e+01, v27;
	(erf) = vpow2.f32 v19;
	v19 =	vmul.f32 $1.442695020e+00, v27;
	[tilespmem:v18+s19+$0x0] =	vst.idx.add.f32.msk vm6, v1  }
0x150: {  	v35 =	vmul.f32 $3.333333250e+00, v34;
	v18 =	vmin.u32 v22, $0xFFF;
	v29 =	vmul.f32 $4.266666790e+01, v31;
	v23 =	vpop (erf);
	[tilespmem:v30+s19+$0x0] =	vst.idx.add.f32.msk vm0, v1  }
0x151: {  	v25 =	vmin.u32 v25, $0xFFF;
	v22 =	vmul.f32 $4.266666790e+01, v28;
	vm0 =	vmmov vm4;
	[tilespmem:v12+s18+$0x0] =	vst.idx.add.f32.msk vm1, v32  }
0x152: {  	v28 =	vmul.f32 $1.442695020e+00, v35;
	v30 =	vsub.f32 $4.800000000e+01, v35;
	v31 =	vsub.f32 v29, v7;
	[tilespmem:v12+s19+$0x0] =	vst.idx.add.f32.msk vm1, v1;
	v12 =	vmovc v37  }
0x153: {  	v36 =	vtrunc.f32 v22;
	v22 =	vsub.f32 v22, v7;
	v32 =	vtrunc.f32 v29;
	[tilespmem:v17+s19+$0x0] =	vst.idx.add.f32.msk vm3, v1;
	v17 =	vmovc v25  }
0x154: {  	vm1 =	vmmov vm5;
	v25 =	vmul.f32 $4.266666790e+01, v30;
	v30 =	vmul.f32 $4.096000000e+03, v31;
	[tilespmem:v37+s17+$0x0] =	vst.idx.add.f32.msk vm5, v23  }
0x155: {  	vm3 =	vgt.s32 v24, $0x0;
	v31 =	vmul.f32 $4.096000000e+03, v22;
	(erf) = vpow2.f32 v28;
	v29 =	vpop (erf)  }
0x156: {  	v33 =	vcvt.f32.s32 v32;
	v28 =	vtrunc.f32 v25;
	v25 =	vsub.f32 v25, v7;
	[tilespmem:v18+s17+$0x0] =	vst.idx.add.f32.msk vm2, v29  }
0x157: {  	v22 =	vmul.f32 $3.333333250e+00, v26;
	v24 =	vnsel vm3, $0x0, v24;
	v26 =	vtrunc.f32 v31  }
0x158: {  	vm3 =	vgt.s32 v33, $0x0;
	v24 =	vmin.u32 v24, $0xFFF;
	v31 =	vcvt.f32.s32 v26;
	v32 =	vpop (erf)  }
0x159: {  	v25 =	vmul.f32 $4.096000000e+03, v25;
	v26 =	vnsel vm3, $0x0, v33;
	v33 =	vsub.f32 $4.800000000e+01, v22  }
0x15a: {  	v28 =	vcvt.f32.s32 v28;
	v26 =	vmin.u32 v26, $0xFFF;
	vm3 =	vgt.s32 v31, $0x0  }
.Ltmp4:
0x15b: {  	v37 =	vtrunc.f32 v25;
	v33 =	vmul.f32 $4.266666790e+01, v33;
	v25 =	vnsel vm3, $0x0, v31;
	(pc) =	sbr.rel @p0 .LBB2_11-.Ltmp4, $4  }
0x15c: {  	vm4 =	vgt.s32 v20, $0x0;
	vm3 =	vgt.s32 v28, $0x0;
	v31 =	vmul.f32 v32, v13;
	v13 =	vmovc v27  }
0x15d: {  	v37 =	vcvt.f32.s32 v37;
	v34 =	vnsel vm3, $0x0, v28;
	vm3 =	veq.s32 v24, v8  }
0x15e: {  	v30 =	vtrunc.f32 v30;
	v24 =	vcvt.f32.s32 v36;
	v36 =	vnsel vm4, $0x0, v20;
	v28 =	vpop (erf)  }
0x15f: {  	s1 =	sadd.s32 $0x40, s1;
	v20 =	vmovc v37;
	v27 =	vmul.f32 v28, v35;
	v35 =	vcvt.f32.s32 v30;
	v30 =	vmin.u32 v36, $0xFFF  }
0x160: {  	_ =	sdelay $0x4  }
0x161: {  	v36 =	vsub.f32 v33, v7;
	v34 =	vmin.u32 v34, $0xFFF;
	v57 =	vtrunc.f32 v33;
	[tilespmem:v17+s17+$0x0] =	vst.idx.add.f32.msk vm3, v32  }
0x162: {  	vm4 =	vmmov vm2;
	(erf) = vpow2.f32 v21;
	v10 =	vmul.f32 v29, v10;
	[tilespmem:v30+s17+$0x0] =	vst.idx.add.f32.msk vm0, v16  }
0x163: {  	v59 =	vmul.f32 $1.442695020e+00, v22;
	v9 =	vmul.f32 v23, v9;
	vm6 =	veq.s32 v26, v8;
	[tilespmem:v30+s18+$0x0] =	vst.idx.add.f32.msk vm0, v15  }
0x164: {  	vm12 =	vgt.s32 v20, $0x0;
	vm15 =	veq.s32 v34, v8;
	vm5 =	vgt.s32 v35, $0x0;
	[tilespmem:v17+s18+$0x0] =	vst.idx.add.f32.msk vm3, v31  }
0x165: {  	v58 =	vmul.f32 $4.096000000e+03, v36;
	[tilespmem:v12+s18+$0x0] =	vst.idx.add.f32.msk vm1, v9;
	vm2 =	vmmov vm15;
	v9 =	vnsel vm12, $0x0, v20  }
0x166: {  	v33 =	vcvt.f32.s32 v57;
	(erf) = vpow2.f32 v59;
	[tilespmem:v30+s19+$0x0] =	vst.idx.add.f32.msk vm0, v1;
	v9 =	vmin.u32 v9, $0xFFF  }
0x167: {  	v35 =	vnsel vm5, $0x0, v35;
	[tilespmem:v17+s19+$0x0] =	vst.idx.add.f32.msk vm3, v1;
	(erf) = vpow2.f32 v19;
	v21 =	vtrunc.f32 v58  }
0x168: {  	v60 =	vmin.u32 v35, $0xFFF;
	vm9 =	vgt.s32 v33, $0x0;
	[tilespmem:v12+s19+$0x0] =	vst.idx.add.f32.msk vm1, v1;
	v61 =	vcvt.f32.s32 v21  }
0x169: {  	vm10 =	vgt.s32 v24, $0x0;
	v15 =	vnsel vm9, $0x0, v33;
	[tilespmem:v18+s18+$0x0] =	vst.idx.add.f32.msk vm4, v10  }
0x16a: {  	v15 =	vmin.u32 v15, $0xFFF;
	v10 =	vnsel vm10, $0x0, v24;
	vm7 =	vgt.s32 v61, $0x0;
	[tilespmem:v18+s19+$0x0] =	vst.idx.add.f32.msk vm4, v1  }
0x16b: {  	vm11 =	veq.s32 v15, v8;
	v10 =	vmin.u32 v10, $0xFFF;
	v15 =	vnsel vm7, $0x0, v61;
	[tilespmem:v9+s17+$0x0] =	vst.idx.add.f32.msk vm2, v28  }
0x16c: {  	vm13 =	veq.s32 v10, v8;
	v15 =	vmin.u32 v15, $0xFFF;
	v12 =	vpop (erf);
	[tilespmem:v9+s18+$0x0] =	vst.idx.add.f32.msk vm2, v27  }
0x16d: {  	v10 =	vmin.u32 v25, $0xFFF;
	[tilespmem:v60+s17+$0x0] =	vst.idx.add.f32.msk vm6, v12;
	v11 =	vmul.f32 v12, v11  }
0x16e: {  	[tilespmem:v9+s19+$0x0] =	vst.idx.add.f32.msk vm2, v1  }
0x16f: {  	v62 =	vpop (erf);
	[tilespmem:v60+s18+$0x0] =	vst.idx.add.f32.msk vm6, v11  }
0x170: {  	v63 =	vpop (erf);
	[tilespmem:v60+s19+$0x0] =	vst.idx.add.f32.msk vm6, v1  }
0x171: {  	v13 =	vmul.f32 v63, v13;
	[tilespmem:v15+s17+$0x0] =	vst.idx.add.f32.msk vm11, v62  }
0x172: {  	v16 =	vmul.f32 v62, v22;
	[tilespmem:v10+s17+$0x0] =	vst.idx.add.f32.msk vm13, v63  }
0x173: {  	[tilespmem:v10+s18+$0x0] =	vst.idx.add.f32.msk vm13, v13  }
0x174: {  	[tilespmem:v15+s18+$0x0] =	vst.idx.add.f32.msk vm11, v16  }
0x175: {  	[tilespmem:v15+s19+$0x0] =	vst.idx.add.f32.msk vm11, v1  }
0x176: {  	s0 =	simm.s32 $0x18670;
	s1 =	simm.s32 $0x18680;
	vm15 =	vmmov vm6;
	vm14 =	vmmov vm11;
	[tilespmem:v10+s19+$0x0] =	vst.idx.add.f32.msk vm13, v1  }
.LBB2_13:
0x177: {  	v9 =	vld [tilespmem:s1+$0x0];
	_ =	sdelay $0x4  }
0x178: {  	v9 =	vmul.f32 $3.333333250e+00, v9;
	_ =	sdelay $0x1  }
0x179: {  	v10 =	vsub.f32 $4.800000000e+01, v9;
	_ =	sdelay $0x1  }
0x17a: {  	v10 =	vmul.f32 $4.266666790e+01, v10;
	_ =	sdelay $0x1  }
0x17b: {  	v11 =	vsub.f32 v10, v7  }
0x17c: {  	v12 =	vmul.f32 $1.442695020e+00, v9  }
0x17d: {  	v10 =	vtrunc.f32 v10;
	v11 =	vmul.f32 $4.096000000e+03, v11  }
0x17e: {  	(erf) = vpow2.f32 v12;
	v10 =	vcvt.f32.s32 v10  }
0x17f: {  	v11 =	vtrunc.f32 v11  }
0x180: {  	vm0 =	vgt.s32 v10, $0x0;
	v11 =	vcvt.f32.s32 v11  }
0x181: {  	v10 =	vnsel vm0, $0x0, v10  }
0x182: {  	v10 =	vmin.u32 v10, $0xFFF;
	vm15 =	vgt.s32 v11, $0x0  }
0x183: {  	vm1 =	veq.s32 v10, v8;
	v10 =	vnsel vm15, $0x0, v11  }
0x184: {  	v10 =	vmin.u32 v10, $0xFFF  }
0x185: {  	s0 =	sadd.s32 $0x10, s0  }
0x186: {  	p0 =	slt.u32 s0, $0x18690  }
.Ltmp5:
0x187: {  	v11 =	vpop (erf);
	(pc) =	sbr.rel @p0 .LBB2_13-.Ltmp5, $4  }
0x188: {  	v9 =	vmul.f32 v11, v9  }
0x189: {  	[tilespmem:v10+s17+$0x0] =	vst.idx.add.f32.msk vm1, v11  }
0x18a: {  	[tilespmem:v10+s18+$0x0] =	vst.idx.add.f32.msk vm1, v9  }
0x18b: {  	s1 =	sadd.s32 $0x10, s1;
	[tilespmem:v10+s19+$0x0] =	vst.idx.add.f32.msk vm1, v1  }
0x18c: {  	s0 =	ssub.s32 s30, s31  }
0x18d: {  	v7 =	vmov s0  }
0x18e: {  	vm0 =	veq.s32 v7, v2  }
0x18f: {  	(xrf2) =	vadd.scan.msk.f32 $0xffff, v6;
	v6 =	vnsel vm0, $0x0, v14  }
0x190: {  	(xrf2) =	vadd.scan.msk.f32 $0xffff, v6;
	_ =	sdelay $0x8  }
0x191: {  	v6, _, _ =	vpop (xrf2)  }
0x192: {  	(v2sf) =	vpush v6, $0xF;
	v6, _, _ =	vpop (xrf2)  }
0x193: {  	(v2sf) =	vpush v6, $0xF;
	_ =	sdelay $0xd  }
0x194: {  	s20 =	spop (v2sf)  }
0x195: {  	s1 =	spop (v2sf)  }
0x196: {  	s30 =	ssub.f32 s20, s1;
	s20 =	simm.s32 $0x1A710  }
0x197: {  	v16 =	vld [tilespmem:s20+$0xFFFFFFF0]  }
0x198: {  	v13 =	vld [tilespmem:s20+$0x0];
	_ =	sdelay $0x3  }
0x199: {  	s21 =	simm.s32 $0x1A730;
	(xrf2) =	vadd.scan.msk.f32 $0xffff, v16  }
0x19a: {  	v12 =	vld [tilespmem:s21+$0xFFFFFFF0];
	(xrf2) =	vadd.scan.msk.f32 $0xffff, v13;
	_ =	sdelay $0x4  }
0x19b: {  	(xrf2) =	vadd.scan.msk.f32 $0xffff, v12  }
0x19c: {  	v11 =	vld [tilespmem:s21+$0x0];
	_ =	sdelay $0x1  }
0x19d: {  	s31 =	simm.s32 $0x1A750  }
0x19e: {  	v9 =	vld [tilespmem:s31+$0xFFFFFFF0];
	v6, _, _ =	vpop (xrf2)  }
0x19f: {  	v15 =	vld [tilespmem:s31+$0x0];
	(v2sf) =	vpush v6, $0xF;
	v18, _, _ =	vpop (xrf2)  }
0x1a0: {  	(xrf2) =	vadd.scan.msk.f32 $0xffff, v11;
	(v2sf) =	vpush v18, $0xF;
	_ =	sdelay $0x2  }
0x1a1: {  	(xrf2) =	vadd.scan.msk.f32 $0xffff, v9  }
0x1a2: {  	v19, _, _ =	vpop (xrf2);
	(xrf2) =	vadd.scan.msk.f32 $0xffff, v15;
	_ =	sdelay $0x1  }
0x1a3: {  	s21 =	simm.s32 $0x1A770  }
0x1a4: {  	v8 =	vld [tilespmem:s21+$0xFFFFFFF0];
	(v2sf) =	vpush v19, $0xF;
	_ =	sdelay $0x2  }
0x1a5: {  	v7 =	vld [tilespmem:s21+$0x0];
	v20, _, _ =	vpop (xrf2)  }
0x1a6: {  	s0 =	ssub.f32 s29, s30;
	(v2sf) =	vpush v20, $0xF  }
0x1a7: {  	s1 =	simm.f32 $0.0e+00;
	(xrf2) =	vadd.scan.msk.f32 $0xffff, v8  }
0x1a8: {  	v14 =	vmov s0;
	s0 =	simm.s32 $0x1B710;
	v6 =	vadd.f32 s1, v6;
	v23, _, _ =	vpop (xrf2)  }
0x1a9: {  	s20 =	simm.s32 $0x1A790;
	v21 =	vld [tilespmem:s0+$0xFFFFFFF0];
	v22, _, _ =	vpop (xrf2);
	s21 =	spop (v2sf);
	(v2sf) =	vpush v23, $0xF  }
0x1aa: {  	v10 =	vsub.f32 v6, v16;
	v6 =	vld [tilespmem:s20+$0xFFFFFFF0];
	(xrf2) =	vadd.scan.msk.f32 $0xffff, v7;
	s31 =	spop (v2sf);
	(v2sf) =	vpush v22, $0xF;
	_ =	sdelay $0x1  }
0x1ab: {  	s21 =	sadd.f32 s21, s1  }
0x1ac: {  	vm1 =	vle.f32 v10, v14;
	v10 =	vld [tilespmem:s20+$0x0]  }
0x1ad: {  	v17 =	vimm.f32 $0.0e+00;
	v24 =	vsel vm1, $0x3F800000, v0;
	s1 =	sadd.f32 s31, s21;
	v27 =	vadd.f32 s21, v18;
	v18 =	vld [tilespmem:s0+$0x0]  }
0x1ae: {  	v21 =	vnsel vm1, $0x0, v21;
	v25 =	vadd.f32 v24, v17;
	(xrf2) =	vadd.scan.msk.f32 $0xffff, v6  }
0x1af: {  	s29 =	simm.s32 $0x1B730;
	v28 =	vnsel vm1, $0x0, v16;
	v26 =	vadd.f32 s1, v19;
	v27 =	vsub.f32 v27, v13  }
0x1b0: {  	s20 =	simm.s32 $0xA0;
	v16 =	vadd.f32 v21, v17;
	v21 =	vadd.f32 v28, v17;
	v24, _, _ =	vpop (xrf2);
	s0 =	simm.s32 $0x1A7B0;
	s21 =	spop (v2sf);
	v19 =	vld [tilespmem:s29+$0xFFFFFFF0]  }
.LBB2_15:
0x1b1: {  	s20 =	sadd.s32 $0x20, s20;
	v17 =	vld [tilespmem:s0+$0xFFFFFFF0];
	(xrf2) =	vadd.scan.msk.f32 $0xffff, v10;
	(v2sf) =	vpush v24, $0xF;
	v26 =	vsub.f32 v26, v12;
	vm1 =	vle.f32 v27, v14  }
0x1b2: {  	p0 =	slt.u32 s20, $0xFE0;
	v27 =	vsel vm1, $0x3F800000, v0;
	v28 =	vnsel vm1, $0x0, v13;
	v18 =	vnsel vm1, $0x0, v18;
	v13 =	vmovc v11;
	v11 =	vmovc v15  }
0x1b3: {  	s1 =	sadd.f32 s21, s1;
	v29 =	vld [tilespmem:s0+$0x0];
	v30, _, _ =	vpop (xrf2);
	vm1 =	vle.f32 v26, v14;
	v25 =	vadd.f32 v27, v25;
	v21 =	vadd.f32 v28, v21  }
.Ltmp6:
0x1b4: {  	v16 =	vadd.f32 v18, v16;
	v26 =	vsel vm1, $0x3F800000, v0;
	v28 =	vnsel vm1, $0x0, v12;
	s21 =	spop (v2sf);
	v12 =	vmovc v9;
	v9 =	vmovc v8;
	(pc) =	sbr.rel @p0 .LBB2_15-.Ltmp6, $4  }
0x1b5: {  	v15 =	vmovc v7;
	v31 =	vadd.f32 s1, v20;
	v8 =	vmovc v6;
	(v2sf) =	vpush v30, $0xF;
	v19 =	vnsel vm1, $0x0, v19;
	v18 =	vld [tilespmem:s29+$0x0];
	s1 =	sadd.f32 s21, s1  }
0x1b6: {  	v7 =	vmovc v10;
	v25 =	vadd.f32 v26, v25;
	(xrf2) =	vadd.scan.msk.f32 $0xffff, v17;
	v16 =	vadd.f32 v19, v16;
	v6 =	vmov v17  }
0x1b7: {  	v20 =	vmovc v22;
	v22 =	vmovc v30;
	v27 =	vsub.f32 v31, v13;
	s29 =	sadd.s32 $0x20, s29;
	v26 =	vadd.f32 s1, v23;
	v23 =	vmov v24  }
0x1b8: {  	s0 =	sadd.s32 $0x20, s0;
	v21 =	vadd.f32 v28, v21;
	v24, _, _ =	vpop (xrf2);
	v19 =	vld [tilespmem:s29+$0xFFFFFFF0];
	s21 =	spop (v2sf);
	v10 =	vmov v29  }
0x1b9: {  	v17 =	vld [tilespmem:s0+$0xFFFFFFF0];
	_ =	sdelay $0x2  }
0x1ba: {  	(xrf2) =	vadd.scan.msk.f32 $0xffff, v10;
	_ =	sdelay $0x1  }
0x1bb: {  	(xrf2) =	vadd.scan.msk.f32 $0xffff, v17;
	_ =	sdelay $0x1  }
0x1bc: {  	(v2sf) =	vpush v24, $0xF  }
0x1bd: {  	v28, _, _ =	vpop (xrf2)  }
0x1be: {  	(v2sf) =	vpush v28, $0xF;
	_ =	sdelay $0x1  }
0x1bf: {  	v29, _, _ =	vpop (xrf2)  }
0x1c0: {  	(v2sf) =	vpush v29, $0xF  }
0x1c1: {  	v30, _, _ =	vpop (xrf2)  }
0x1c2: {  	s1 =	sadd.f32 s21, s1;
	(v2sf) =	vpush v30, $0xF  }
0x1c3: {  	v26 =	vsub.f32 v26, v12;
	vm5 =	vle.f32 v27, v14;
	s20 =	spop (v2sf);
	v37, _, _ =	vpop (xrf2)  }
0x1c4: {  	v31 =	vsel vm5, $0x3F800000, v0;
	v32 =	vadd.f32 s1, v20;
	s1 =	sadd.f32 s20, s1;
	(v2sf) =	vpush v37, $0xF  }
0x1c5: {  	vm6 =	vle.f32 v26, v14;
	v25 =	vadd.f32 v31, v25;
	s31 =	spop (v2sf)  }
0x1c6: {  	v20 =	vld [tilespmem:s0+$0x0];
	v26 =	vsel vm6, $0x3F800000, v0;
	v23 =	vadd.f32 s1, v23;
	v38 =	vsub.f32 v32, v11;
	s21 =	sadd.f32 s31, s1  }
0x1c7: {  	v25 =	vadd.f32 v26, v25  }
0x1c8: {  	v23 =	vsub.f32 v23, v9;
	vm11 =	vle.f32 v38, v14;
	v22 =	vadd.f32 s21, v22;
	s31 =	spop (v2sf)  }
0x1c9: {  	v39 =	vsel vm11, $0x3F800000, v0;
	s0 =	sadd.f32 s31, s21  }
0x1ca: {  	vm7 =	vle.f32 v23, v14;
	v40 =	vadd.f32 v39, v25;
	v22 =	vsub.f32 v22, v15;
	s20 =	spop (v2sf)  }
0x1cb: {  	v41 =	vsel vm7, $0x3F800000, v0;
	v42 =	vadd.f32 s0, v24;
	(xrf2) =	vadd.scan.msk.f32 $0xffff, v20;
	s0 =	sadd.f32 s20, s0  }
0x1cc: {  	v23 =	vadd.f32 v41, v40;
	vm9 =	vle.f32 v22, v14;
	s21 =	spop (v2sf)  }
0x1cd: {  	v44 =	vsel vm9, $0x3F800000, v0;
	v43 =	vsub.f32 v42, v8;
	v45 =	vadd.f32 s0, v28;
	s0 =	sadd.f32 s21, s0  }
0x1ce: {  	v23 =	vadd.f32 v44, v23  }
0x1cf: {  	vm10 =	vle.f32 v43, v14;
	v47 =	vsub.f32 v45, v7;
	v46 =	vadd.f32 s0, v29;
	s31 =	spop (v2sf)  }
0x1d0: {  	v48 =	vsel vm10, $0x3F800000, v0;
	s0 =	sadd.f32 s31, s0  }
0x1d1: {  	v23 =	vadd.f32 v48, v23;
	vm8 =	vle.f32 v47, v14;
	v22 =	vsub.f32 v46, v6;
	s20 =	spop (v2sf)  }
0x1d2: {  	v24 =	vsel vm8, $0x3F800000, v0;
	v49 =	vadd.f32 s0, v30;
	s0 =	sadd.f32 s20, s0  }
0x1d3: {  	v50 =	vadd.f32 v24, v23;
	vm4 =	vle.f32 v22, v14;
	s21 =	spop (v2sf)  }
0x1d4: {  	v51 =	vsel vm4, $0x3F800000, v0;
	v25 =	vsub.f32 v49, v10;
	v52 =	vadd.f32 s0, v37;
	s0 =	sadd.f32 s21, s0  }
0x1d5: {  	v53, _, _ =	vpop (xrf2);
	v22 =	vadd.f32 v51, v50  }
0x1d6: {  	vm3 =	vle.f32 v25, v14;
	v54 =	vsub.f32 v52, v17;
	v55 =	vadd.f32 s0, v53  }
0x1d7: {  	v25 =	vsel vm3, $0x3F800000, v0  }
0x1d8: {  	v22 =	vadd.f32 v25, v22;
	vm2 =	vle.f32 v54, v14;
	v56 =	vsub.f32 v55, v20  }
0x1d9: {  	v57 =	vsel vm2, $0x3F800000, v0  }
0x1da: {  	v22 =	vadd.f32 v57, v22;
	vm1 =	vle.f32 v56, v14  }
0x1db: {  	v14 =	vsel vm1, $0x3F800000, v0  }
0x1dc: {  	v5 =	vnsel vm0, $0x0, v5;
	(xrf2) =	vadd.scan.msk.f32 $0xffff, v4;
	v14 =	vadd.f32 v14, v22  }
0x1dd: {  	(xrf2) =	vadd.scan.msk.f32 $0xffff, v5  }
0x1de: {  	(xrf2) =	vadd.scan.msk.f32 $0xffff, v14;
	_ =	sdelay $0x7  }
0x1df: {  	v4, _, _ =	vpop (xrf2);
	(v2sf) =	vpush v53, $0xF  }
0x1e0: {  	v58, _, _ =	vpop (xrf2);
	(v2sf) =	vpush v4, $0xF  }
0x1e1: {  	(v2sf) =	vpush v58, $0xF;
	v59, _, _ =	vpop (xrf2)  }
0x1e2: {  	(v2sf) =	vpush v59, $0xF;
	_ =	sdelay $0x6  }
0x1e3: {  	v61 =	vld [tilespmem:s29+$0x0];
	v60 =	vnsel vm5, $0x0, v13  }
0x1e4: {  	s29 =	sadd.s32 $0x20, s29;
	v62 =	vnsel vm5, $0x0, v18;
	v4 =	vadd.f32 v60, v21  }
0x1e5: {  	v13 =	vadd.f32 v62, v16;
	v63 =	vnsel vm6, $0x0, v12;
	v21 =	vld [tilespmem:s29+$0xFFFFFFF0]  }
0x1e6: {  	v4 =	vadd.f32 v63, v4;
	v22 =	vnsel vm6, $0x0, v19  }
0x1e7: {  	v24 =	vnsel vm11, $0x0, v11;
	v25 =	vld [tilespmem:s29+$0x0];
	v23 =	vadd.f32 v22, v13  }
0x1e8: {  	v5 =	vnsel vm11, $0x0, v61;
	s31 =	sadd.s32 $0x20, s29;
	v4 =	vadd.f32 v24, v4;
	s21 =	spop (v2sf)  }
0x1e9: {  	v26 =	vnsel vm7, $0x0, v9;
	v27 =	vld [tilespmem:s31+$0xFFFFFFF0];
	v5 =	vadd.f32 v5, v23;
	s0 =	spop (v2sf)  }
0x1ea: {  	v28 =	vnsel vm7, $0x0, v21;
	v4 =	vadd.f32 v26, v4;
	s1 =	spop (v2sf)  }
0x1eb: {  	v29 =	vnsel vm9, $0x0, v15;
	v30 =	vld [tilespmem:s31+$0x0];
	v5 =	vadd.f32 v28, v5;
	s29 =	spop (v2sf)  }
0x1ec: {  	s20 =	sadd.s32 $0x20, s31;
	v4 =	vadd.f32 v29, v4;
	v13 =	vnsel vm9, $0x0, v25;
	s21 =	scvt.f32.s32 s29  }
0x1ed: {  	v31 =	vnsel vm10, $0x0, v8;
	v32 =	vld [tilespmem:s20+$0xFFFFFFF0];
	v5 =	vadd.f32 v13, v5  }
0x1ee: {  	v11 =	vnsel vm10, $0x0, v27;
	v4 =	vadd.f32 v31, v4;
	s21 =	sadd.s32 $0xFFFFFFFF, s21  }
0x1ef: {  	v33 =	vnsel vm8, $0x0, v7;
	v34 =	vld [tilespmem:s20+$0x0];
	s20 =	sadd.s32 $0x20, s20;
	v5 =	vadd.f32 v11, v5;
	s29 =	sand.u32 $0xF, s21  }
0x1f0: {  	v35 =	vnsel vm8, $0x0, v30;
	v4 =	vadd.f32 v33, v4;
	s31 =	sshra.s32 s21, $0x1F;
	p0 =	slt.s32 s21, $0x1;
	p1 =	sne.s32 s29, $0x0  }
0x1f1: {  	v36 =	vnsel vm4, $0x0, v6;
	v37 =	vld [tilespmem:s20+$0xFFFFFFF0];
	v5 =	vadd.f32 v35, v5;
	s31 =	sshrl.u32 s31, $0x1C;
	p0 =	por !p0, !p1  }
0x1f2: {  	v9 =	vnsel vm4, $0x0, v32;
	v4 =	vadd.f32 v36, v4;
	s29 =	sadd.s32 s31, s21;
	s31 =	simm.s32 $0x1;
	p0 =	por !p0, !p0  }
0x1f3: {  	v39 =	vld [tilespmem:s20+$0x0];
	v38 =	vnsel vm3, $0x0, v10;
	v5 =	vadd.f32 v9, v5;
	s29 =	sshrl.u32 s29, $0x4;
	s31 =	simm.s32 @!p0 $0x0  }
0x1f4: {  	v8 =	vnsel vm3, $0x0, v34;
	v4 =	vadd.f32 v38, v4;
	s20 =	ssub.s32 s29, s31  }
0x1f5: {  	v40 =	vnsel vm2, $0x0, v17;
	v5 =	vadd.f32 v8, v5;
	s20 =	sshll.u32 s20, $0x4  }
0x1f6: {  	v7 =	vnsel vm2, $0x0, v37;
	v4 =	vadd.f32 v40, v4;
	v41 =	vld [tilespmem:s20+$0x1A700]  }
0x1f7: {  	v42 =	vnsel vm1, $0x0, v20;
	v5 =	vadd.f32 v7, v5;
	v43 =	vld [tilespmem:s20+$0x1B700]  }
0x1f8: {  	v4 =	vadd.f32 v42, v4;
	v9 =	vnsel vm1, $0x0, v39;
	s21 =	ssub.s32 s21, s20  }
0x1f9: {  	v5 =	vadd.f32 v9, v5;
	v44 =	vmov s21  }
0x1fa: {  	(xrf2) =	vadd.scan.msk.f32 $0xffff, v4;
	vm14 =	veq.s32 v44, v2  }
0x1fb: {  	(xrf2) =	vadd.scan.msk.f32 $0xffff, v5;
	v45 =	vnsel vm14, $0x0, v41  }
0x1fc: {  	v46 =	vnsel vm14, $0x0, v43;
	(xrf2) =	vadd.scan.msk.f32 $0xffff, v45  }
0x1fd: {  	(xrf2) =	vadd.scan.msk.f32 $0xffff, v46;
	_ =	sdelay $0x6  }
0x1fe: {  	v47, _, _ =	vpop (xrf2)  }
0x1ff: {  	(v2sf) =	vpush v47, $0xF;
	v48, _, _ =	vpop (xrf2)  }
0x200: {  	(v2sf) =	vpush v48, $0xF;
	v49, _, _ =	vpop (xrf2)  }
0x201: {  	(v2sf) =	vpush v49, $0xF;
	v50, _, _ =	vpop (xrf2)  }
0x202: {  	(v2sf) =	vpush v50, $0xF;
	_ =	sdelay $0x2  }
0x203: {  	v51 =	vld [tilespmem:s20+$0x1C700];
	_ =	sdelay $0x4  }
0x204: {  	v6 =	vnsel vm14, $0x0, v51  }
0x205: {  	(xrf2) =	vadd.scan.msk.f32 $0xffff, v6;
	_ =	sdelay $0x2  }
0x206: {  	s20 =	spop (v2sf)  }
0x207: {  	s29 =	sand.u32 $0x10, s28;
	s21 =	spop (v2sf)  }
0x208: {  	s0 =	ssub.f32 s0, s1;
	v52 =	vld [tilespmem:s29+$0x1D700];
	s1 =	spop (v2sf)  }
0x209: {  	v54 =	vld [tilespmem:s29+$0x1D800];
	s31 =	spop (v2sf);
	s1 =	ssub.f32 s20, s1  }
0x20a: {  	v56 =	vld [tilespmem:s29+$0x1D880];
	s20 =	ssub.f32 s21, s31;
	s31 =	sand.u32 $0xF, s28  }
0x20b: {  	v57 =	vld [tilespmem:s29+$0x1D900];
	s1 =	sadd.f32 s1, s30;
	v55 =	vmov s31  }
0x20c: {  	v58 =	vld [tilespmem:s29+$0x1D980];
	v4 =	vbroadcast v49, $0xF;
	vm15 =	veq.s32 v55, v2  }
0x20d: {  	v53 =	vld [tilespmem:s29+$0x1D780];
	v59, _, _ =	vpop (xrf2);
	v5 =	vbroadcast v50, $0xF;
	s28 =	sadd.s32 $0x1, s28;
	v6 =	vsel vm15, s1, v52  }
0x20e: {  	v61 =	vbroadcast v59, $0xF;
	p0 =	sne.s32 s28, $0x20;
	v4 =	vsel vm15, v4, v54;
	[tilespmem:s29+$0x1D700] =	vst v6  }
.Ltmp7:
0x20f: {  	v62 =	vsel vm15, v5, v56;
	[tilespmem:s29+$0x1D800] =	vst v4;
	(pc) =	sbr.rel @p0 .LBB2_2-.Ltmp7, $4  }
0x210: {  	s0 =	sadd.f32 s20, s0;
	v63 =	vsel vm15, v61, v57;
	[tilespmem:s29+$0x1D880] =	vst v62  }
0x211: {  	v3 =	vsel vm15, v3, v58;
	[tilespmem:s29+$0x1D900] =	vst v63  }
0x212: {  	v60 =	vsel vm15, s0, v53;
	[tilespmem:s29+$0x1D980] =	vst v3  }
0x213: {  	[tilespmem:s29+$0x1D780] =	vst v60  }
0x214: {  	s0 =	simm.s32 $0x1D700  }
0x215: {  	[hbm4b:s5+s2] =	stream.linear.scatter [tilespmem:s0], [sflag:$0x1], $0x20, $0x38;
	[tilespmem:$0x1DA00] =	vst v63  }
0x216: {  	_ =	swait.ge [sflag:s14], $0x20  }
0x217: {  	[sflag:s14] =	ssyncset.done $0x0  }
0x218: {  	s31 =	simm.s32 $0x1D780;
	[sflag:s14] =	ssyncadd.s32 $0xFFFFFFE0  }
0x219: {  	[hbm4b:s6+s2] =	stream.linear.scatter [tilespmem:s31], [sflag:$0x1], $0x20, $0x38;
	[tilespmem:$0x1DA00] =	vst v63  }
0x21a: {  	_ =	swait.ge [sflag:s14], $0x20  }
0x21b: {  	[sflag:s14] =	ssyncset.done $0x0  }
0x21c: {  	[sflag:s14] =	ssyncadd.s32 $0xFFFFFFE0  }
0x21d: {  	[hbm4b:s7+s2] =	stream.linear.scatter [tilespmem:s22], [sflag:$0x1], $0x20, $0x38;
	[tilespmem:$0x1DA00] =	vst v63  }
0x21e: {  	_ =	swait.ge [sflag:s14], $0x20  }
0x21f: {  	[sflag:s14] =	ssyncset.done $0x0  }
0x220: {  	[sflag:s14] =	ssyncadd.s32 $0xFFFFFFE0  }
0x221: {  	[hbm4b:s8+s2] =	stream.linear.scatter [tilespmem:s23], [sflag:$0x1], $0x20, $0x38;
	[tilespmem:$0x1DA00] =	vst v63  }
0x222: {  	_ =	swait.ge [sflag:s14], $0x20  }
0x223: {  	[sflag:s14] =	ssyncset.done $0x0  }
0x224: {  	[sflag:s14] =	ssyncadd.s32 $0xFFFFFFE0  }
0x225: {  	[hbm4b:s9+s2] =	stream.linear.scatter [tilespmem:s24], [sflag:$0x1], $0x20, $0x38;
	[tilespmem:$0x1DA00] =	vst v63  }
0x226: {  	s26 =	sadd.s32 $0x1, s26;
	_ =	swait.ge [sflag:s14], $0x20  }
0x227: {  	p0 =	sne.s32 s26, s11;
	[sflag:s14] =	ssyncset.done $0x0  }
.Ltmp8:
0x228: {  	[sflag:s14] =	ssyncadd.s32 $0xFFFFFFE0;
	(pc) =	sbr.rel @p0 .LBB2_1-.Ltmp8, $4  }
0x229: {  	[hbm4b:s10+s2] =	stream.linear.scatter [tilespmem:s25], [sflag:$0x1], $0x20, $0x38;
	[tilespmem:$0x1DA00] =	vst v63  }
0x22a: {  	_ =	swait.ge [sflag:s14], $0x20  }
0x22b: {  	[sflag:s14] =	ssyncset.done $0x0  }
0x22c: {  	[sflag:s14] =	ssyncadd.s32 $0xFFFFFFE0  }
0x22d: {  	_ =	sfence.sel $0x180000  }
0x22e: {  	[bflag:$0x0] =	sbarrier.arrive $0xFFFF  }
0x22f: {  	_ =	strace $0x90000047  }
0x230: {  	s0 =	stileid.u32;
	[bflag:$0x2] =	sbarrier.arrive $0xFFFF  }
0x231: {  	p0 =	sne.s32 s0, $0x0;
	s0 =	rddreg [dreg:$0x3]  }
0x232: {  	s0 =	sadd.s32 @!p0 $0x100000, s0  }
0x233: {  	[sflag:s0] =	ssyncadd.tile.s32 @!p0 $0x1;
	_ =	shalt  }
.Lfunc_end2:
_tile_overlayer_lowered:
.L_overlay_start_2:
0x234: {  	(tag) =	ssettag $0x2  }
0x235: {  	s0 =	rddreg [dreg:$0x0];
	s2 =	stileid.u32  }
0x236: {  	s1 =	rddreg [dreg:$0x1];
	p0 =	sne.s32 s2, $0x0  }
0x237: {  	s3 =	rddreg [dreg:$0x2];
	[bflag:$0x3] =	sbarrier.arrive $0xFFFF;
	s2 =	simm.s32 @!p0 $0x1C01  }
0x238: {  	[timem:s3], [sflag:s2] =	dma.local @!p0 [hbm:s0], s1  }
0x239: {  	s0 =	simm.s32 @!p0 $0x1  }
0x23a: {  	_ =	swait.ge @!p0 [sflag:s0], s1  }
0x23b: {  	s1 =	ssub.s32 @!p0 $0x0, s1;
	[sflag:s0] =	ssyncset.done @!p0 $0x0  }
0x23c: {  	[sflag:s0] =	ssyncadd.s32 @!p0 s1  }
0x23d: {  	[bflag:$0x3] =	sbarrier.arrive $0xFFFF  }
0x23e: {  	_ =	shalt  }

</sc_bundles>
